<compile_context>
chip_gen: v7x
topology: tpu7x:2x2x1
jax: 0.10.2.dev20260603
libtpu: 0.0.44.dev20260713+nightly
codegen_flags: <defaults>
</compile_context>

<pallas_src>
import functools

import jax
import jax.numpy as jnp
from jax import lax
from jax.experimental import pallas as pl
from jax.experimental.pallas import tpu as pltpu
from jax.experimental.pallas import tpu_sc as plsc

N_NODES = 50000
N_EDGES = 800000

NC = 2
NS = 16
NW = NC * NS

NP = 50176
PSLICE = NP // NS
EPW = N_EDGES // NW
CHUNK = 5000
NCHUNK = EPW // CHUNK
ONES_PAD = 5008

_mesh = plsc.VectorSubcoreMesh(core_axis_name="c", subcore_axis_name="s")


def _zero_fill(buf, n):
    @pl.loop(0, n, step=16)
    def _(i):
        buf[pl.ds(i, 16)] = jnp.zeros((16,), jnp.float32)


def _deg_body(dst_hbm, degp_hbm, idxd, ones_v, zblk_v, acc_sh, sem_i, sem_s):
    c = lax.axis_index("c")
    s = lax.axis_index("s")
    base = (c * NS + s) * EPW

    cd = [pltpu.async_copy(dst_hbm.at[pl.ds(base + k * CHUNK, CHUNK)],
                           idxd[k], sem_i) for k in range(NCHUNK)]

    @pl.loop(0, ONES_PAD, step=16)
    def _(i):
        ones_v[pl.ds(i, 16)] = jnp.full((16,), 1.0, jnp.float32)

    _zero_fill(zblk_v, PSLICE)
    pltpu.sync_copy(zblk_v, acc_sh.at[pl.ds(s * PSLICE, PSLICE)])
    plsc.subcore_barrier()

    sc = []
    for k in range(NCHUNK):
        cd[k].wait()
        sc.append(pltpu.async_copy(ones_v.at[pl.ds(0, CHUNK)],
                                   acc_sh.at[idxd[k]], sem_s, add=True))
    for k in range(NCHUNK):
        sc[k].wait()

    plsc.subcore_barrier()
    sl = pl.ds(s * PSLICE, PSLICE)
    pltpu.sync_copy(acc_sh.at[sl], zblk_v)
    pltpu.sync_copy(zblk_v, degp_hbm.at[pl.ds(c * NP + s * PSLICE, PSLICE)])


def _pass_body(src_hbm, dst_hbm, val_hbm, outp_hbm,
               idxs, idxd, vals, zblk_v, acc_sh, val_sh,
               sem_i, sem_g, sem_s):
    c = lax.axis_index("c")
    s = lax.axis_index("s")
    sl = pl.ds(s * PSLICE, PSLICE)
    base = (c * NS + s) * EPW

    cs = [pltpu.async_copy(src_hbm.at[pl.ds(base + k * CHUNK, CHUNK)],
                           idxs[k], sem_i) for k in range(NCHUNK)]
    cd = [pltpu.async_copy(dst_hbm.at[pl.ds(base + k * CHUNK, CHUNK)],
                           idxd[k], sem_i) for k in range(NCHUNK)]

    _zero_fill(zblk_v, PSLICE)
    pltpu.sync_copy(zblk_v, acc_sh.at[sl])
    pltpu.sync_copy(val_hbm.at[sl], zblk_v)
    pltpu.sync_copy(zblk_v, val_sh.at[sl])
    plsc.subcore_barrier()

    gs = []
    for k in range(NCHUNK):
        cs[k].wait()
        gs.append(pltpu.async_copy(val_sh.at[idxs[k]], vals[k], sem_g))
    sc = []
    for k in range(NCHUNK):
        gs[k].wait()
        cd[k].wait()
        sc.append(pltpu.async_copy(vals[k], acc_sh.at[idxd[k]], sem_s, add=True))
    for k in range(NCHUNK):
        sc[k].wait()

    plsc.subcore_barrier()
    pltpu.sync_copy(acc_sh.at[sl], zblk_v)
    pltpu.sync_copy(zblk_v, outp_hbm.at[pl.ds(c * NP + s * PSLICE, PSLICE)])


_f32 = jnp.float32


@functools.partial(
    pl.kernel,
    out_type=jax.ShapeDtypeStruct((NC * NP,), _f32),
    mesh=_mesh,
    scratch_types=(
        [[pltpu.VMEM((CHUNK,), jnp.int32) for _ in range(NCHUNK)]]
        + [
            pltpu.VMEM((ONES_PAD,), _f32),
            pltpu.VMEM((PSLICE,), _f32),
            pltpu.VMEM_SHARED((NP,), _f32),
            pltpu.SemaphoreType.DMA,
            pltpu.SemaphoreType.DMA,
        ]
    ),
)
def _sc_degree(dst_hbm, degp_hbm, idxd, ones_v, zblk_v, acc_sh, sem_i, sem_s):
    _deg_body(dst_hbm, degp_hbm, idxd, ones_v, zblk_v, acc_sh, sem_i, sem_s)


@functools.partial(
    pl.kernel,
    out_type=jax.ShapeDtypeStruct((NC * NP,), _f32),
    mesh=_mesh,
    scratch_types=(
        [[pltpu.VMEM((CHUNK,), jnp.int32) for _ in range(NCHUNK)],
         [pltpu.VMEM((CHUNK,), jnp.int32) for _ in range(NCHUNK)],
         [pltpu.VMEM((CHUNK,), _f32) for _ in range(NCHUNK)]]
        + [
            pltpu.VMEM((PSLICE,), _f32),
            pltpu.VMEM_SHARED((NP,), _f32),
            pltpu.VMEM_SHARED((NP,), _f32),
            pltpu.SemaphoreType.DMA,
            pltpu.SemaphoreType.DMA,
            pltpu.SemaphoreType.DMA,
        ]
    ),
)
def _sc_pass(src_hbm, dst_hbm, val_hbm, outp_hbm,
             idxs, idxd, vals, zblk_v, acc_sh, val_sh, sem_i, sem_g, sem_s):
    _pass_body(src_hbm, dst_hbm, val_hbm, outp_hbm,
               idxs, idxd, vals, zblk_v, acc_sh, val_sh, sem_i, sem_g, sem_s)


def _tc_prep_body(d0_ref, d1_ref, x_ref, dinv_ref, u_ref):
    deg = d0_ref[...] + d1_ref[...] + 1.0
    dinv = lax.rsqrt(deg)
    dinv_ref[...] = dinv
    u_ref[...] = dinv * x_ref[...]


def _tc_mid_a_body(t0_ref, t1_ref, u_ref, dinv_ref, y_ref):
    y_ref[...] = dinv_ref[...] * (t0_ref[...] + t1_ref[...] + u_ref[...])


def _tc_mm_body(y8_ref, w1_ref, b1_ref, w2_ref, w8_ref):
    for j in range(8):
        h1 = y8_ref[:, j:j + 1] * w1_ref[...] + b1_ref[...]
        w8_ref[:, j:j + 1] = jnp.dot(h1, w2_ref[...],
                                     preferred_element_type=_f32)


def _tc_mid_b_body(dinv_ref, w_ref, v_ref):
    v_ref[...] = dinv_ref[...] * w_ref[...]


def _tc_fin_body(t0_ref, t1_ref, v_ref, dinv_ref, b2_ref, o_ref):
    o_ref[...] = (dinv_ref[...] * (t0_ref[...] + t1_ref[...] + v_ref[...])
                  + b2_ref[0])


_node1d = jax.ShapeDtypeStruct((NP,), _f32)
_MROWS = NP // 8

_tc_prep = pl.pallas_call(_tc_prep_body, out_shape=(_node1d, _node1d))
_tc_mid_a = pl.pallas_call(_tc_mid_a_body, out_shape=_node1d)
_tc_mm = pl.pallas_call(
    _tc_mm_body,
    out_shape=jax.ShapeDtypeStruct((_MROWS, 8), _f32),
)
_tc_mid_b = pl.pallas_call(_tc_mid_b_body, out_shape=_node1d)
_tc_fin = pl.pallas_call(_tc_fin_body, out_shape=_node1d)


def kernel(x, edge_index, W1, b1, W2, b2):
    ei = edge_index.astype(jnp.int32)
    src = ei[0]
    dst = ei[1]

    xp = jnp.zeros((NP,), _f32).at[:N_NODES].set(x[:, 0])
    w1 = W1.reshape(1, 64)
    b1r = b1.reshape(1, 64)

    degp = _sc_degree(dst)
    dinv, u = _tc_prep(degp[:NP], degp[NP:], xp)

    t1p = _sc_pass(src, dst, u)
    y = _tc_mid_a(t1p[:NP], t1p[NP:], u, dinv)

    w = _tc_mm(y.reshape(_MROWS, 8), w1, b1r, W2).reshape(NP)
    v = _tc_mid_b(dinv, w)

    t2p = _sc_pass(src, dst, v)
    out = _tc_fin(t2p[:NP], t2p[NP:], v, dinv, b2)

    return out[:N_NODES].reshape(N_NODES, 1)

# --- scband reference (transcript-rebuilt; emitter-appended) ---
"""Pipeline reference for scband-graph-conv-layer-9998683865626 (READ-ONLY COPY).

The authoritative reference and input builder live on the scoring server;
editing this copy changes nothing except your own understanding.
"""

import jax, jax.numpy as jnp
import numpy as np

N_NODES = 50000
N_EDGES = 800000


def _glorot(key, shape):
    fan_in, fan_out = shape[0], shape[1]
    limit = float(np.sqrt(6.0 / (fan_in + fan_out)))
    return jax.random.uniform(key, shape, dtype=jnp.float32, minval=-limit, maxval=limit)


def setup_inputs(seed: int = 0) -> dict:
    key = jax.random.key(seed)
    k1, k2, k3, k4 = jax.random.split(key, 4)
    x = jax.random.normal(k1, (N_NODES, 1), dtype=jnp.float32)
    edge_index = jax.random.randint(k2, (2, N_EDGES), 0, N_NODES, dtype=jnp.int64)
    W1 = _glorot(k3, (1, 64))
    b1 = jnp.zeros((64,), dtype=jnp.float32)
    W2 = _glorot(k4, (64, 1))
    b2 = jnp.zeros((1,), dtype=jnp.float32)
    return {"x": x, "edge_index": edge_index, "W1": W1, "b1": b1, "W2": W2, "b2": b2}


def _gcn_conv(x, src, dst, W, b):
    # Faithful PyG GCNConv: h = D^{-1/2} (A + I) D^{-1/2} X W + b
    N = x.shape[0]
    deg = jnp.zeros((N,), dtype=jnp.float32).at[dst].add(1.0)
    deg_inv_sqrt = jnp.where(deg > 0, jax.lax.rsqrt(jnp.maximum(deg, 1e-12)), 0.0)
    norm = deg_inv_sqrt[src] * deg_inv_sqrt[dst]
    h = x @ W
    msg = h[src] * norm[:, None]
    out = jnp.zeros((N, W.shape[1]), dtype=jnp.float32).at[dst].add(msg)
    return out + b


def reference(x, edge_index, W1, b1, W2, b2):
    N = x.shape[0]
    loop = jnp.arange(N, dtype=edge_index.dtype)
    src = jnp.concatenate([edge_index[0], loop])
    dst = jnp.concatenate([edge_index[1], loop])
    h = _gcn_conv(x, src, dst, W1, b1)
    out = _gcn_conv(h, src, dst, W2, b2)
    return out

if __name__ == "__main__":
    import jax
    _d = setup_inputs()
    print(jax.jit(kernel)(*tuple(_d.values())))

</pallas_src>

<mosaic_0001>
#map = affine_map<(d0, d1) -> (0)>
module attributes {stable_mosaic.version = 14 : i64} {
  func.func @_sc_pass(%arg0: i32, %arg1: i32, %arg2: memref<800000xi32, #tpu.memory_space<hbm>>, %arg3: memref<800000xi32, #tpu.memory_space<hbm>>, %arg4: memref<50176xf32, #tpu.memory_space<hbm>>, %arg5: memref<100352xf32, #tpu.memory_space<hbm>>, %arg6: memref<5000xi32, #tpu.memory_space<vmem>>, %arg7: memref<5000xi32, #tpu.memory_space<vmem>>, %arg8: memref<5000xi32, #tpu.memory_space<vmem>>, %arg9: memref<5000xi32, #tpu.memory_space<vmem>>, %arg10: memref<5000xi32, #tpu.memory_space<vmem>>, %arg11: memref<5000xi32, #tpu.memory_space<vmem>>, %arg12: memref<5000xi32, #tpu.memory_space<vmem>>, %arg13: memref<5000xi32, #tpu.memory_space<vmem>>, %arg14: memref<5000xi32, #tpu.memory_space<vmem>>, %arg15: memref<5000xi32, #tpu.memory_space<vmem>>, %arg16: memref<5000xf32, #tpu.memory_space<vmem>>, %arg17: memref<5000xf32, #tpu.memory_space<vmem>>, %arg18: memref<5000xf32, #tpu.memory_space<vmem>>, %arg19: memref<5000xf32, #tpu.memory_space<vmem>>, %arg20: memref<5000xf32, #tpu.memory_space<vmem>>, %arg21: memref<3136xf32, #tpu.memory_space<vmem>>, %arg22: memref<50176xf32, #tpu.memory_space<vmem_shared>>, %arg23: memref<50176xf32, #tpu.memory_space<vmem_shared>>, %arg24: memref<!tpu.dma_semaphore, #tpu.memory_space<semaphore_mem>>, %arg25: memref<!tpu.dma_semaphore, #tpu.memory_space<semaphore_mem>>, %arg26: memref<!tpu.dma_semaphore, #tpu.memory_space<semaphore_mem>>) attributes {dimension_semantics = [#tpu.dimension_semantics<core_parallel>, #tpu.dimension_semantics<subcore_parallel>], iteration_bounds = array<i64: 2, 16>, scalar_prefetch = 0 : i64, scratch_operands = 21 : i64, tpu.core_type = #tpu.core_type<sc_vector_subcore>, window_params = [{transform_indices = #map}, {transform_indices = #map}, {transform_indices = #map}, {transform_indices = #map}]} {
    %mul3A = arith.constant 3136 : i32
    %mul3A_0 = arith.muli %arg1, %mul3A : i32
    %mul3A_1 = arith.constant 16 : i32
    %mul3A_2 = arith.muli %arg0, %mul3A_1 : i32
    %add3A = arith.addi %mul3A_2, %arg1 : i32
    %mul3A_3 = arith.constant 25000 : i32
    %mul3A_4 = arith.muli %add3A, %mul3A_3 : i32
    %add3A_5 = arith.constant 0 : i32
    %add3A_6 = arith.addi %mul3A_4, %add3A_5 : i32
    %dma_start3A = tpu.memref_slice %arg2[%add3A_6] : memref<800000xi32, #tpu.memory_space<hbm>> -> memref<5000xi32, #tpu.memory_space<hbm>>
    %dma_start3A_7 = tpu.memref_slice %arg2[%add3A_6] : memref<800000xi32, #tpu.memory_space<hbm>> -> memref<5000xi32, #tpu.memory_space<hbm>>
    tpu.enqueue_dma source(%dma_start3A_7 : memref<5000xi32, #tpu.memory_space<hbm>>) target(%arg6 : memref<5000xi32, #tpu.memory_space<vmem>>) target_semaphore(%arg24 : memref<!tpu.dma_semaphore, #tpu.memory_space<semaphore_mem>>)
    %add3A_8 = arith.constant 5000 : i32
    %add3A_9 = arith.addi %mul3A_4, %add3A_8 : i32
    %dma_start3A_10 = tpu.memref_slice %arg2[%add3A_9] : memref<800000xi32, #tpu.memory_space<hbm>> -> memref<5000xi32, #tpu.memory_space<hbm>>
    %dma_start3A_11 = tpu.memref_slice %arg2[%add3A_9] : memref<800000xi32, #tpu.memory_space<hbm>> -> memref<5000xi32, #tpu.memory_space<hbm>>
    tpu.enqueue_dma source(%dma_start3A_11 : memref<5000xi32, #tpu.memory_space<hbm>>) target(%arg7 : memref<5000xi32, #tpu.memory_space<vmem>>) target_semaphore(%arg24 : memref<!tpu.dma_semaphore, #tpu.memory_space<semaphore_mem>>)
    %add3A_12 = arith.constant 10000 : i32
    %add3A_13 = arith.addi %mul3A_4, %add3A_12 : i32
    %dma_start3A_14 = tpu.memref_slice %arg2[%add3A_13] : memref<800000xi32, #tpu.memory_space<hbm>> -> memref<5000xi32, #tpu.memory_space<hbm>>
    %dma_start3A_15 = tpu.memref_slice %arg2[%add3A_13] : memref<800000xi32, #tpu.memory_space<hbm>> -> memref<5000xi32, #tpu.memory_space<hbm>>
    tpu.enqueue_dma source(%dma_start3A_15 : memref<5000xi32, #tpu.memory_space<hbm>>) target(%arg8 : memref<5000xi32, #tpu.memory_space<vmem>>) target_semaphore(%arg24 : memref<!tpu.dma_semaphore, #tpu.memory_space<semaphore_mem>>)
    %add3A_16 = arith.constant 15000 : i32
    %add3A_17 = arith.addi %mul3A_4, %add3A_16 : i32
    %dma_start3A_18 = tpu.memref_slice %arg2[%add3A_17] : memref<800000xi32, #tpu.memory_space<hbm>> -> memref<5000xi32, #tpu.memory_space<hbm>>
    %dma_start3A_19 = tpu.memref_slice %arg2[%add3A_17] : memref<800000xi32, #tpu.memory_space<hbm>> -> memref<5000xi32, #tpu.memory_space<hbm>>
    tpu.enqueue_dma source(%dma_start3A_19 : memref<5000xi32, #tpu.memory_space<hbm>>) target(%arg9 : memref<5000xi32, #tpu.memory_space<vmem>>) target_semaphore(%arg24 : memref<!tpu.dma_semaphore, #tpu.memory_space<semaphore_mem>>)
    %add3A_20 = arith.constant 20000 : i32
    %add3A_21 = arith.addi %mul3A_4, %add3A_20 : i32
    %dma_start3A_22 = tpu.memref_slice %arg2[%add3A_21] : memref<800000xi32, #tpu.memory_space<hbm>> -> memref<5000xi32, #tpu.memory_space<hbm>>
    %dma_start3A_23 = tpu.memref_slice %arg2[%add3A_21] : memref<800000xi32, #tpu.memory_space<hbm>> -> memref<5000xi32, #tpu.memory_space<hbm>>
    tpu.enqueue_dma source(%dma_start3A_23 : memref<5000xi32, #tpu.memory_space<hbm>>) target(%arg10 : memref<5000xi32, #tpu.memory_space<vmem>>) target_semaphore(%arg24 : memref<!tpu.dma_semaphore, #tpu.memory_space<semaphore_mem>>)
    %add3A_24 = arith.constant 0 : i32
    %add3A_25 = arith.addi %mul3A_4, %add3A_24 : i32
    %dma_start3A_26 = tpu.memref_slice %arg3[%add3A_25] : memref<800000xi32, #tpu.memory_space<hbm>> -> memref<5000xi32, #tpu.memory_space<hbm>>
    %dma_start3A_27 = tpu.memref_slice %arg3[%add3A_25] : memref<800000xi32, #tpu.memory_space<hbm>> -> memref<5000xi32, #tpu.memory_space<hbm>>
    tpu.enqueue_dma source(%dma_start3A_27 : memref<5000xi32, #tpu.memory_space<hbm>>) target(%arg11 : memref<5000xi32, #tpu.memory_space<vmem>>) target_semaphore(%arg24 : memref<!tpu.dma_semaphore, #tpu.memory_space<semaphore_mem>>)
    %add3A_28 = arith.constant 5000 : i32
    %add3A_29 = arith.addi %mul3A_4, %add3A_28 : i32
    %dma_start3A_30 = tpu.memref_slice %arg3[%add3A_29] : memref<800000xi32, #tpu.memory_space<hbm>> -> memref<5000xi32, #tpu.memory_space<hbm>>
    %dma_start3A_31 = tpu.memref_slice %arg3[%add3A_29] : memref<800000xi32, #tpu.memory_space<hbm>> -> memref<5000xi32, #tpu.memory_space<hbm>>
    tpu.enqueue_dma source(%dma_start3A_31 : memref<5000xi32, #tpu.memory_space<hbm>>) target(%arg12 : memref<5000xi32, #tpu.memory_space<vmem>>) target_semaphore(%arg24 : memref<!tpu.dma_semaphore, #tpu.memory_space<semaphore_mem>>)
    %add3A_32 = arith.constant 10000 : i32
    %add3A_33 = arith.addi %mul3A_4, %add3A_32 : i32
    %dma_start3A_34 = tpu.memref_slice %arg3[%add3A_33] : memref<800000xi32, #tpu.memory_space<hbm>> -> memref<5000xi32, #tpu.memory_space<hbm>>
    %dma_start3A_35 = tpu.memref_slice %arg3[%add3A_33] : memref<800000xi32, #tpu.memory_space<hbm>> -> memref<5000xi32, #tpu.memory_space<hbm>>
    tpu.enqueue_dma source(%dma_start3A_35 : memref<5000xi32, #tpu.memory_space<hbm>>) target(%arg13 : memref<5000xi32, #tpu.memory_space<vmem>>) target_semaphore(%arg24 : memref<!tpu.dma_semaphore, #tpu.memory_space<semaphore_mem>>)
    %add3A_36 = arith.constant 15000 : i32
    %add3A_37 = arith.addi %mul3A_4, %add3A_36 : i32
    %dma_start3A_38 = tpu.memref_slice %arg3[%add3A_37] : memref<800000xi32, #tpu.memory_space<hbm>> -> memref<5000xi32, #tpu.memory_space<hbm>>
    %dma_start3A_39 = tpu.memref_slice %arg3[%add3A_37] : memref<800000xi32, #tpu.memory_space<hbm>> -> memref<5000xi32, #tpu.memory_space<hbm>>
    tpu.enqueue_dma source(%dma_start3A_39 : memref<5000xi32, #tpu.memory_space<hbm>>) target(%arg14 : memref<5000xi32, #tpu.memory_space<vmem>>) target_semaphore(%arg24 : memref<!tpu.dma_semaphore, #tpu.memory_space<semaphore_mem>>)
    %add3A_40 = arith.constant 20000 : i32
    %add3A_41 = arith.addi %mul3A_4, %add3A_40 : i32
    %dma_start3A_42 = tpu.memref_slice %arg3[%add3A_41] : memref<800000xi32, #tpu.memory_space<hbm>> -> memref<5000xi32, #tpu.memory_space<hbm>>
    %dma_start3A_43 = tpu.memref_slice %arg3[%add3A_41] : memref<800000xi32, #tpu.memory_space<hbm>> -> memref<5000xi32, #tpu.memory_space<hbm>>
    tpu.enqueue_dma source(%dma_start3A_43 : memref<5000xi32, #tpu.memory_space<hbm>>) target(%arg15 : memref<5000xi32, #tpu.memory_space<vmem>>) target_semaphore(%arg24 : memref<!tpu.dma_semaphore, #tpu.memory_space<semaphore_mem>>)
    %scan3A = arith.constant 0 : i32
    %scan3A_44 = arith.constant 196 : i32
    %scan3A_45 = arith.addi %scan3A, %scan3A_44 : i32
    %scan3A_46 = arith.constant 1 : i32
    scf.for %scan3A_113 = %scan3A to %scan3A_45 step %scan3A_46  : i32 {
      %mul3A_114 = arith.constant 16 : i32
      %mul3A_115 = arith.muli %scan3A_113, %mul3A_114 : i32
      %add3A_116 = arith.constant 0 : i32
      %add3A_117 = arith.addi %add3A_116, %mul3A_115 : i32
      %broadcast_in_dim3A = arith.constant 0.000000e+00 : f32
      %broadcast_in_dim3A_118 = vector.broadcast %broadcast_in_dim3A : f32 to vector<16xf32>
      %swap3A = arith.index_cast %add3A_117 : i32 to index
      %swap3A_119 = tpu.vector_load %arg21[%swap3A] {strides = array<i32>} : memref<3136xf32, #tpu.memory_space<vmem>>, vector<16xf32>,
      %swap3A_120 = vector.shape_cast %swap3A_119 : vector<16xf32> to vector<16xf32>
      %swap3A_121 = vector.shape_cast %broadcast_in_dim3A_118 : vector<16xf32> to vector<16xf32>
      tpu.vector_store %arg21[%swap3A], %swap3A_121 {strides = array<i32>} : memref<3136xf32, #tpu.memory_space<vmem>>, vector<16xf32>,
    }
    %scan3A_47 = arith.constant 196 : i32
    "tpu.region"() ({
      %run_scoped3A = tpu.sem_alloc : memref<!tpu.dma_semaphore, #tpu.memory_space<semaphore_mem>>
      %dma_start3A_113 = tpu.memref_slice %arg22[%mul3A_0] : memref<50176xf32, #tpu.memory_space<vmem_shared>> -> memref<3136xf32, #tpu.memory_space<vmem_shared>>
      %dma_start3A_114 = tpu.memref_slice %arg22[%mul3A_0] : memref<50176xf32, #tpu.memory_space<vmem_shared>> -> memref<3136xf32, #tpu.memory_space<vmem_shared>>
      tpu.enqueue_dma source(%arg21 : memref<3136xf32, #tpu.memory_space<vmem>>) target(%dma_start3A_114 : memref<3136xf32, #tpu.memory_space<vmem_shared>>) target_semaphore(%run_scoped3A : memref<!tpu.dma_semaphore, #tpu.memory_space<semaphore_mem>>)
      %dma_wait3A_115 = tpu.memref_slice %arg22[%mul3A_0] : memref<50176xf32, #tpu.memory_space<vmem_shared>> -> memref<3136xf32, #tpu.memory_space<vmem_shared>>
      %dma_wait3A_116 = tpu.memref_slice %arg22[%mul3A_0] : memref<50176xf32, #tpu.memory_space<vmem_shared>> -> memref<3136xf32, #tpu.memory_space<vmem_shared>>
      tpu.wait_dma2 semaphore(%run_scoped3A : memref<!tpu.dma_semaphore, #tpu.memory_space<semaphore_mem>>) src(%arg21 : memref<3136xf32, #tpu.memory_space<vmem>>) dst(%dma_wait3A_116 : memref<3136xf32, #tpu.memory_space<vmem_shared>>)
      tpu.yield
    }) : () -> ()
    "tpu.region"() ({
      %run_scoped3A = tpu.sem_alloc : memref<!tpu.dma_semaphore, #tpu.memory_space<semaphore_mem>>
      %dma_start3A_113 = tpu.memref_slice %arg4[%mul3A_0] : memref<50176xf32, #tpu.memory_space<hbm>> -> memref<3136xf32, #tpu.memory_space<hbm>>
      %dma_start3A_114 = tpu.memref_slice %arg4[%mul3A_0] : memref<50176xf32, #tpu.memory_space<hbm>> -> memref<3136xf32, #tpu.memory_space<hbm>>
      tpu.enqueue_dma source(%dma_start3A_114 : memref<3136xf32, #tpu.memory_space<hbm>>) target(%arg21 : memref<3136xf32, #tpu.memory_space<vmem>>) target_semaphore(%run_scoped3A : memref<!tpu.dma_semaphore, #tpu.memory_space<semaphore_mem>>)
      %dma_wait3A_115 = tpu.memref_slice %arg4[%mul3A_0] : memref<50176xf32, #tpu.memory_space<hbm>> -> memref<3136xf32, #tpu.memory_space<hbm>>
      %dma_wait3A_116 = tpu.memref_slice %arg4[%mul3A_0] : memref<50176xf32, #tpu.memory_space<hbm>> -> memref<3136xf32, #tpu.memory_space<hbm>>
      tpu.wait_dma2 semaphore(%run_scoped3A : memref<!tpu.dma_semaphore, #tpu.memory_space<semaphore_mem>>) src(%dma_wait3A_116 : memref<3136xf32, #tpu.memory_space<hbm>>) dst(%arg21 : memref<3136xf32, #tpu.memory_space<vmem>>)
      tpu.yield
    }) : () -> ()
    "tpu.region"() ({
      %run_scoped3A = tpu.sem_alloc : memref<!tpu.dma_semaphore, #tpu.memory_space<semaphore_mem>>
      %dma_start3A_113 = tpu.memref_slice %arg23[%mul3A_0] : memref<50176xf32, #tpu.memory_space<vmem_shared>> -> memref<3136xf32, #tpu.memory_space<vmem_shared>>
      %dma_start3A_114 = tpu.memref_slice %arg23[%mul3A_0] : memref<50176xf32, #tpu.memory_space<vmem_shared>> -> memref<3136xf32, #tpu.memory_space<vmem_shared>>
      tpu.enqueue_dma source(%arg21 : memref<3136xf32, #tpu.memory_space<vmem>>) target(%dma_start3A_114 : memref<3136xf32, #tpu.memory_space<vmem_shared>>) target_semaphore(%run_scoped3A : memref<!tpu.dma_semaphore, #tpu.memory_space<semaphore_mem>>)
      %dma_wait3A_115 = tpu.memref_slice %arg23[%mul3A_0] : memref<50176xf32, #tpu.memory_space<vmem_shared>> -> memref<3136xf32, #tpu.memory_space<vmem_shared>>
      %dma_wait3A_116 = tpu.memref_slice %arg23[%mul3A_0] : memref<50176xf32, #tpu.memory_space<vmem_shared>> -> memref<3136xf32, #tpu.memory_space<vmem_shared>>
      tpu.wait_dma2 semaphore(%run_scoped3A : memref<!tpu.dma_semaphore, #tpu.memory_space<semaphore_mem>>) src(%arg21 : memref<3136xf32, #tpu.memory_space<vmem>>) dst(%dma_wait3A_116 : memref<3136xf32, #tpu.memory_space<vmem_shared>>)
      tpu.yield
    }) : () -> ()
    %barrier3A = arith.constant 0 : index
    tpu.barrier barrier_id(%barrier3A)
    %dma_wait3A = tpu.memref_slice %arg2[%add3A_6] : memref<800000xi32, #tpu.memory_space<hbm>> -> memref<5000xi32, #tpu.memory_space<hbm>>
    %dma_wait3A_48 = tpu.memref_slice %arg2[%add3A_6] : memref<800000xi32, #tpu.memory_space<hbm>> -> memref<5000xi32, #tpu.memory_space<hbm>>
    tpu.wait_dma2 semaphore(%arg24 : memref<!tpu.dma_semaphore, #tpu.memory_space<semaphore_mem>>) src(%dma_wait3A_48 : memref<5000xi32, #tpu.memory_space<hbm>>) dst(%arg6 : memref<5000xi32, #tpu.memory_space<vmem>>)
    %dma_start3A_49 = arith.constant 0 : i32
    %dma_start3A_50 = tpu.memref_slice %arg23[%dma_start3A_49] : memref<50176xf32, #tpu.memory_space<vmem_shared>> -> memref<50176xf32, #tpu.memory_space<vmem_shared>>
    tpu.enqueue_indirect_dma source(%dma_start3A_50 : memref<50176xf32, #tpu.memory_space<vmem_shared>>) target(%arg16 : memref<5000xf32, #tpu.memory_space<vmem>>) offsets(%arg6 : memref<5000xi32, #tpu.memory_space<vmem>>) semaphore(%arg25 : memref<!tpu.dma_semaphore, #tpu.memory_space<semaphore_mem>>)
    %dma_wait3A_51 = tpu.memref_slice %arg2[%add3A_9] : memref<800000xi32, #tpu.memory_space<hbm>> -> memref<5000xi32, #tpu.memory_space<hbm>>
    %dma_wait3A_52 = tpu.memref_slice %arg2[%add3A_9] : memref<800000xi32, #tpu.memory_space<hbm>> -> memref<5000xi32, #tpu.memory_space<hbm>>
    tpu.wait_dma2 semaphore(%arg24 : memref<!tpu.dma_semaphore, #tpu.memory_space<semaphore_mem>>) src(%dma_wait3A_52 : memref<5000xi32, #tpu.memory_space<hbm>>) dst(%arg7 : memref<5000xi32, #tpu.memory_space<vmem>>)
    %dma_start3A_53 = arith.constant 0 : i32
    %dma_start3A_54 = tpu.memref_slice %arg23[%dma_start3A_53] : memref<50176xf32, #tpu.memory_space<vmem_shared>> -> memref<50176xf32, #tpu.memory_space<vmem_shared>>
    tpu.enqueue_indirect_dma source(%dma_start3A_54 : memref<50176xf32, #tpu.memory_space<vmem_shared>>) target(%arg17 : memref<5000xf32, #tpu.memory_space<vmem>>) offsets(%arg7 : memref<5000xi32, #tpu.memory_space<vmem>>) semaphore(%arg25 : memref<!tpu.dma_semaphore, #tpu.memory_space<semaphore_mem>>)
    %dma_wait3A_55 = tpu.memref_slice %arg2[%add3A_13] : memref<800000xi32, #tpu.memory_space<hbm>> -> memref<5000xi32, #tpu.memory_space<hbm>>
    %dma_wait3A_56 = tpu.memref_slice %arg2[%add3A_13] : memref<800000xi32, #tpu.memory_space<hbm>> -> memref<5000xi32, #tpu.memory_space<hbm>>
    tpu.wait_dma2 semaphore(%arg24 : memref<!tpu.dma_semaphore, #tpu.memory_space<semaphore_mem>>) src(%dma_wait3A_56 : memref<5000xi32, #tpu.memory_space<hbm>>) dst(%arg8 : memref<5000xi32, #tpu.memory_space<vmem>>)
    %dma_start3A_57 = arith.constant 0 : i32
    %dma_start3A_58 = tpu.memref_slice %arg23[%dma_start3A_57] : memref<50176xf32, #tpu.memory_space<vmem_shared>> -> memref<50176xf32, #tpu.memory_space<vmem_shared>>
    tpu.enqueue_indirect_dma source(%dma_start3A_58 : memref<50176xf32, #tpu.memory_space<vmem_shared>>) target(%arg18 : memref<5000xf32, #tpu.memory_space<vmem>>) offsets(%arg8 : memref<5000xi32, #tpu.memory_space<vmem>>) semaphore(%arg25 : memref<!tpu.dma_semaphore, #tpu.memory_space<semaphore_mem>>)
    %dma_wait3A_59 = tpu.memref_slice %arg2[%add3A_17] : memref<800000xi32, #tpu.memory_space<hbm>> -> memref<5000xi32, #tpu.memory_space<hbm>>
    %dma_wait3A_60 = tpu.memref_slice %arg2[%add3A_17] : memref<800000xi32, #tpu.memory_space<hbm>> -> memref<5000xi32, #tpu.memory_space<hbm>>
    tpu.wait_dma2 semaphore(%arg24 : memref<!tpu.dma_semaphore, #tpu.memory_space<semaphore_mem>>) src(%dma_wait3A_60 : memref<5000xi32, #tpu.memory_space<hbm>>) dst(%arg9 : memref<5000xi32, #tpu.memory_space<vmem>>)
    %dma_start3A_61 = arith.constant 0 : i32
    %dma_start3A_62 = tpu.memref_slice %arg23[%dma_start3A_61] : memref<50176xf32, #tpu.memory_space<vmem_shared>> -> memref<50176xf32, #tpu.memory_space<vmem_shared>>
    tpu.enqueue_indirect_dma source(%dma_start3A_62 : memref<50176xf32, #tpu.memory_space<vmem_shared>>) target(%arg19 : memref<5000xf32, #tpu.memory_space<vmem>>) offsets(%arg9 : memref<5000xi32, #tpu.memory_space<vmem>>) semaphore(%arg25 : memref<!tpu.dma_semaphore, #tpu.memory_space<semaphore_mem>>)
    %dma_wait3A_63 = tpu.memref_slice %arg2[%add3A_21] : memref<800000xi32, #tpu.memory_space<hbm>> -> memref<5000xi32, #tpu.memory_space<hbm>>
    %dma_wait3A_64 = tpu.memref_slice %arg2[%add3A_21] : memref<800000xi32, #tpu.memory_space<hbm>> -> memref<5000xi32, #tpu.memory_space<hbm>>
    tpu.wait_dma2 semaphore(%arg24 : memref<!tpu.dma_semaphore, #tpu.memory_space<semaphore_mem>>) src(%dma_wait3A_64 : memref<5000xi32, #tpu.memory_space<hbm>>) dst(%arg10 : memref<5000xi32, #tpu.memory_space<vmem>>)
    %dma_start3A_65 = arith.constant 0 : i32
    %dma_start3A_66 = tpu.memref_slice %arg23[%dma_start3A_65] : memref<50176xf32, #tpu.memory_space<vmem_shared>> -> memref<50176xf32, #tpu.memory_space<vmem_shared>>
    tpu.enqueue_indirect_dma source(%dma_start3A_66 : memref<50176xf32, #tpu.memory_space<vmem_shared>>) target(%arg20 : memref<5000xf32, #tpu.memory_space<vmem>>) offsets(%arg10 : memref<5000xi32, #tpu.memory_space<vmem>>) semaphore(%arg25 : memref<!tpu.dma_semaphore, #tpu.memory_space<semaphore_mem>>)
    %dma_wait3A_67 = arith.constant 0 : i32
    %dma_wait3A_68 = tpu.memref_slice %arg23[%dma_wait3A_67] : memref<50176xf32, #tpu.memory_space<vmem_shared>> -> memref<50176xf32, #tpu.memory_space<vmem_shared>>
    tpu.wait_indirect_dma semaphore(%arg25 : memref<!tpu.dma_semaphore, #tpu.memory_space<semaphore_mem>>) src(%dma_wait3A_68 : memref<50176xf32, #tpu.memory_space<vmem_shared>>) dst(%arg16 : memref<5000xf32, #tpu.memory_space<vmem>>)
    %dma_wait3A_69 = tpu.memref_slice %arg3[%add3A_25] : memref<800000xi32, #tpu.memory_space<hbm>> -> memref<5000xi32, #tpu.memory_space<hbm>>
    %dma_wait3A_70 = tpu.memref_slice %arg3[%add3A_25] : memref<800000xi32, #tpu.memory_space<hbm>> -> memref<5000xi32, #tpu.memory_space<hbm>>
    tpu.wait_dma2 semaphore(%arg24 : memref<!tpu.dma_semaphore, #tpu.memory_space<semaphore_mem>>) src(%dma_wait3A_70 : memref<5000xi32, #tpu.memory_space<hbm>>) dst(%arg11 : memref<5000xi32, #tpu.memory_space<vmem>>)
    %dma_start3A_71 = arith.constant 0 : i32
    %dma_start3A_72 = tpu.memref_slice %arg22[%dma_start3A_71] : memref<50176xf32, #tpu.memory_space<vmem_shared>> -> memref<50176xf32, #tpu.memory_space<vmem_shared>>
    tpu.enqueue_indirect_dma source(%arg16 : memref<5000xf32, #tpu.memory_space<vmem>>) target(%dma_start3A_72 : memref<50176xf32, #tpu.memory_space<vmem_shared>>) offsets(%arg11 : memref<5000xi32, #tpu.memory_space<vmem>>) semaphore(%arg26 : memref<!tpu.dma_semaphore, #tpu.memory_space<semaphore_mem>>) {add = true}
    %dma_wait3A_73 = arith.constant 0 : i32
    %dma_wait3A_74 = tpu.memref_slice %arg23[%dma_wait3A_73] : memref<50176xf32, #tpu.memory_space<vmem_shared>> -> memref<50176xf32, #tpu.memory_space<vmem_shared>>
    tpu.wait_indirect_dma semaphore(%arg25 : memref<!tpu.dma_semaphore, #tpu.memory_space<semaphore_mem>>) src(%dma_wait3A_74 : memref<50176xf32, #tpu.memory_space<vmem_shared>>) dst(%arg17 : memref<5000xf32, #tpu.memory_space<vmem>>)
    %dma_wait3A_75 = tpu.memref_slice %arg3[%add3A_29] : memref<800000xi32, #tpu.memory_space<hbm>> -> memref<5000xi32, #tpu.memory_space<hbm>>
    %dma_wait3A_76 = tpu.memref_slice %arg3[%add3A_29] : memref<800000xi32, #tpu.memory_space<hbm>> -> memref<5000xi32, #tpu.memory_space<hbm>>
    tpu.wait_dma2 semaphore(%arg24 : memref<!tpu.dma_semaphore, #tpu.memory_space<semaphore_mem>>) src(%dma_wait3A_76 : memref<5000xi32, #tpu.memory_space<hbm>>) dst(%arg12 : memref<5000xi32, #tpu.memory_space<vmem>>)
    %dma_start3A_77 = arith.constant 0 : i32
    %dma_start3A_78 = tpu.memref_slice %arg22[%dma_start3A_77] : memref<50176xf32, #tpu.memory_space<vmem_shared>> -> memref<50176xf32, #tpu.memory_space<vmem_shared>>
    tpu.enqueue_indirect_dma source(%arg17 : memref<5000xf32, #tpu.memory_space<vmem>>) target(%dma_start3A_78 : memref<50176xf32, #tpu.memory_space<vmem_shared>>) offsets(%arg12 : memref<5000xi32, #tpu.memory_space<vmem>>) semaphore(%arg26 : memref<!tpu.dma_semaphore, #tpu.memory_space<semaphore_mem>>) {add = true}
    %dma_wait3A_79 = arith.constant 0 : i32
    %dma_wait3A_80 = tpu.memref_slice %arg23[%dma_wait3A_79] : memref<50176xf32, #tpu.memory_space<vmem_shared>> -> memref<50176xf32, #tpu.memory_space<vmem_shared>>
    tpu.wait_indirect_dma semaphore(%arg25 : memref<!tpu.dma_semaphore, #tpu.memory_space<semaphore_mem>>) src(%dma_wait3A_80 : memref<50176xf32, #tpu.memory_space<vmem_shared>>) dst(%arg18 : memref<5000xf32, #tpu.memory_space<vmem>>)
    %dma_wait3A_81 = tpu.memref_slice %arg3[%add3A_33] : memref<800000xi32, #tpu.memory_space<hbm>> -> memref<5000xi32, #tpu.memory_space<hbm>>
    %dma_wait3A_82 = tpu.memref_slice %arg3[%add3A_33] : memref<800000xi32, #tpu.memory_space<hbm>> -> memref<5000xi32, #tpu.memory_space<hbm>>
    tpu.wait_dma2 semaphore(%arg24 : memref<!tpu.dma_semaphore, #tpu.memory_space<semaphore_mem>>) src(%dma_wait3A_82 : memref<5000xi32, #tpu.memory_space<hbm>>) dst(%arg13 : memref<5000xi32, #tpu.memory_space<vmem>>)
    %dma_start3A_83 = arith.constant 0 : i32
    %dma_start3A_84 = tpu.memref_slice %arg22[%dma_start3A_83] : memref<50176xf32, #tpu.memory_space<vmem_shared>> -> memref<50176xf32, #tpu.memory_space<vmem_shared>>
    tpu.enqueue_indirect_dma source(%arg18 : memref<5000xf32, #tpu.memory_space<vmem>>) target(%dma_start3A_84 : memref<50176xf32, #tpu.memory_space<vmem_shared>>) offsets(%arg13 : memref<5000xi32, #tpu.memory_space<vmem>>) semaphore(%arg26 : memref<!tpu.dma_semaphore, #tpu.memory_space<semaphore_mem>>) {add = true}
    %dma_wait3A_85 = arith.constant 0 : i32
    %dma_wait3A_86 = tpu.memref_slice %arg23[%dma_wait3A_85] : memref<50176xf32, #tpu.memory_space<vmem_shared>> -> memref<50176xf32, #tpu.memory_space<vmem_shared>>
    tpu.wait_indirect_dma semaphore(%arg25 : memref<!tpu.dma_semaphore, #tpu.memory_space<semaphore_mem>>) src(%dma_wait3A_86 : memref<50176xf32, #tpu.memory_space<vmem_shared>>) dst(%arg19 : memref<5000xf32, #tpu.memory_space<vmem>>)
    %dma_wait3A_87 = tpu.memref_slice %arg3[%add3A_37] : memref<800000xi32, #tpu.memory_space<hbm>> -> memref<5000xi32, #tpu.memory_space<hbm>>
    %dma_wait3A_88 = tpu.memref_slice %arg3[%add3A_37] : memref<800000xi32, #tpu.memory_space<hbm>> -> memref<5000xi32, #tpu.memory_space<hbm>>
    tpu.wait_dma2 semaphore(%arg24 : memref<!tpu.dma_semaphore, #tpu.memory_space<semaphore_mem>>) src(%dma_wait3A_88 : memref<5000xi32, #tpu.memory_space<hbm>>) dst(%arg14 : memref<5000xi32, #tpu.memory_space<vmem>>)
    %dma_start3A_89 = arith.constant 0 : i32
    %dma_start3A_90 = tpu.memref_slice %arg22[%dma_start3A_89] : memref<50176xf32, #tpu.memory_space<vmem_shared>> -> memref<50176xf32, #tpu.memory_space<vmem_shared>>
    tpu.enqueue_indirect_dma source(%arg19 : memref<5000xf32, #tpu.memory_space<vmem>>) target(%dma_start3A_90 : memref<50176xf32, #tpu.memory_space<vmem_shared>>) offsets(%arg14 : memref<5000xi32, #tpu.memory_space<vmem>>) semaphore(%arg26 : memref<!tpu.dma_semaphore, #tpu.memory_space<semaphore_mem>>) {add = true}
    %dma_wait3A_91 = arith.constant 0 : i32
    %dma_wait3A_92 = tpu.memref_slice %arg23[%dma_wait3A_91] : memref<50176xf32, #tpu.memory_space<vmem_shared>> -> memref<50176xf32, #tpu.memory_space<vmem_shared>>
    tpu.wait_indirect_dma semaphore(%arg25 : memref<!tpu.dma_semaphore, #tpu.memory_space<semaphore_mem>>) src(%dma_wait3A_92 : memref<50176xf32, #tpu.memory_space<vmem_shared>>) dst(%arg20 : memref<5000xf32, #tpu.memory_space<vmem>>)
    %dma_wait3A_93 = tpu.memref_slice %arg3[%add3A_41] : memref<800000xi32, #tpu.memory_space<hbm>> -> memref<5000xi32, #tpu.memory_space<hbm>>
    %dma_wait3A_94 = tpu.memref_slice %arg3[%add3A_41] : memref<800000xi32, #tpu.memory_space<hbm>> -> memref<5000xi32, #tpu.memory_space<hbm>>
    tpu.wait_dma2 semaphore(%arg24 : memref<!tpu.dma_semaphore, #tpu.memory_space<semaphore_mem>>) src(%dma_wait3A_94 : memref<5000xi32, #tpu.memory_space<hbm>>) dst(%arg15 : memref<5000xi32, #tpu.memory_space<vmem>>)
    %dma_start3A_95 = arith.constant 0 : i32
    %dma_start3A_96 = tpu.memref_slice %arg22[%dma_start3A_95] : memref<50176xf32, #tpu.memory_space<vmem_shared>> -> memref<50176xf32, #tpu.memory_space<vmem_shared>>
    tpu.enqueue_indirect_dma source(%arg20 : memref<5000xf32, #tpu.memory_space<vmem>>) target(%dma_start3A_96 : memref<50176xf32, #tpu.memory_space<vmem_shared>>) offsets(%arg15 : memref<5000xi32, #tpu.memory_space<vmem>>) semaphore(%arg26 : memref<!tpu.dma_semaphore, #tpu.memory_space<semaphore_mem>>) {add = true}
    %dma_wait3A_97 = arith.constant 0 : i32
    %dma_wait3A_98 = tpu.memref_slice %arg22[%dma_wait3A_97] : memref<50176xf32, #tpu.memory_space<vmem_shared>> -> memref<50176xf32, #tpu.memory_space<vmem_shared>>
    tpu.wait_indirect_dma semaphore(%arg26 : memref<!tpu.dma_semaphore, #tpu.memory_space<semaphore_mem>>) src(%arg16 : memref<5000xf32, #tpu.memory_space<vmem>>) dst(%dma_wait3A_98 : memref<50176xf32, #tpu.memory_space<vmem_shared>>)
    %dma_wait3A_99 = arith.constant 0 : i32
    %dma_wait3A_100 = tpu.memref_slice %arg22[%dma_wait3A_99] : memref<50176xf32, #tpu.memory_space<vmem_shared>> -> memref<50176xf32, #tpu.memory_space<vmem_shared>>
    tpu.wait_indirect_dma semaphore(%arg26 : memref<!tpu.dma_semaphore, #tpu.memory_space<semaphore_mem>>) src(%arg17 : memref<5000xf32, #tpu.memory_space<vmem>>) dst(%dma_wait3A_100 : memref<50176xf32, #tpu.memory_space<vmem_shared>>)
    %dma_wait3A_101 = arith.constant 0 : i32
    %dma_wait3A_102 = tpu.memref_slice %arg22[%dma_wait3A_101] : memref<50176xf32, #tpu.memory_space<vmem_shared>> -> memref<50176xf32, #tpu.memory_space<vmem_shared>>
    tpu.wait_indirect_dma semaphore(%arg26 : memref<!tpu.dma_semaphore, #tpu.memory_space<semaphore_mem>>) src(%arg18 : memref<5000xf32, #tpu.memory_space<vmem>>) dst(%dma_wait3A_102 : memref<50176xf32, #tpu.memory_space<vmem_shared>>)
    %dma_wait3A_103 = arith.constant 0 : i32
    %dma_wait3A_104 = tpu.memref_slice %arg22[%dma_wait3A_103] : memref<50176xf32, #tpu.memory_space<vmem_shared>> -> memref<50176xf32, #tpu.memory_space<vmem_shared>>
    tpu.wait_indirect_dma semaphore(%arg26 : memref<!tpu.dma_semaphore, #tpu.memory_space<semaphore_mem>>) src(%arg19 : memref<5000xf32, #tpu.memory_space<vmem>>) dst(%dma_wait3A_104 : memref<50176xf32, #tpu.memory_space<vmem_shared>>)
    %dma_wait3A_105 = arith.constant 0 : i32
    %dma_wait3A_106 = tpu.memref_slice %arg22[%dma_wait3A_105] : memref<50176xf32, #tpu.memory_space<vmem_shared>> -> memref<50176xf32, #tpu.memory_space<vmem_shared>>
    tpu.wait_indirect_dma semaphore(%arg26 : memref<!tpu.dma_semaphore, #tpu.memory_space<semaphore_mem>>) src(%arg20 : memref<5000xf32, #tpu.memory_space<vmem>>) dst(%dma_wait3A_106 : memref<50176xf32, #tpu.memory_space<vmem_shared>>)
    %barrier3A_107 = arith.constant 0 : index
    tpu.barrier barrier_id(%barrier3A_107)
    "tpu.region"() ({
      %run_scoped3A = tpu.sem_alloc : memref<!tpu.dma_semaphore, #tpu.memory_space<semaphore_mem>>
      %dma_start3A_113 = tpu.memref_slice %arg22[%mul3A_0] : memref<50176xf32, #tpu.memory_space<vmem_shared>> -> memref<3136xf32, #tpu.memory_space<vmem_shared>>
      %dma_start3A_114 = tpu.memref_slice %arg22[%mul3A_0] : memref<50176xf32, #tpu.memory_space<vmem_shared>> -> memref<3136xf32, #tpu.memory_space<vmem_shared>>
      tpu.enqueue_dma source(%dma_start3A_114 : memref<3136xf32, #tpu.memory_space<vmem_shared>>) target(%arg21 : memref<3136xf32, #tpu.memory_space<vmem>>) target_semaphore(%run_scoped3A : memref<!tpu.dma_semaphore, #tpu.memory_space<semaphore_mem>>)
      %dma_wait3A_115 = tpu.memref_slice %arg22[%mul3A_0] : memref<50176xf32, #tpu.memory_space<vmem_shared>> -> memref<3136xf32, #tpu.memory_space<vmem_shared>>
      %dma_wait3A_116 = tpu.memref_slice %arg22[%mul3A_0] : memref<50176xf32, #tpu.memory_space<vmem_shared>> -> memref<3136xf32, #tpu.memory_space<vmem_shared>>
      tpu.wait_dma2 semaphore(%run_scoped3A : memref<!tpu.dma_semaphore, #tpu.memory_space<semaphore_mem>>) src(%dma_wait3A_116 : memref<3136xf32, #tpu.memory_space<vmem_shared>>) dst(%arg21 : memref<3136xf32, #tpu.memory_space<vmem>>)
      tpu.yield
    }) : () -> ()
    %mul3A_108 = arith.constant 50176 : i32
    %mul3A_109 = arith.muli %arg0, %mul3A_108 : i32
    %mul3A_110 = arith.constant 3136 : i32
    %mul3A_111 = arith.muli %arg1, %mul3A_110 : i32
    %add3A_112 = arith.addi %mul3A_109, %mul3A_111 : i32
    "tpu.region"() ({
      %run_scoped3A = tpu.sem_alloc : memref<!tpu.dma_semaphore, #tpu.memory_space<semaphore_mem>>
      %dma_start3A_113 = tpu.memref_slice %arg5[%add3A_112] : memref<100352xf32, #tpu.memory_space<hbm>> -> memref<3136xf32, #tpu.memory_space<hbm>>
      %dma_start3A_114 = tpu.memref_slice %arg5[%add3A_112] : memref<100352xf32, #tpu.memory_space<hbm>> -> memref<3136xf32, #tpu.memory_space<hbm>>
      tpu.enqueue_dma source(%arg21 : memref<3136xf32, #tpu.memory_space<vmem>>) target(%dma_start3A_114 : memref<3136xf32, #tpu.memory_space<hbm>>) target_semaphore(%run_scoped3A : memref<!tpu.dma_semaphore, #tpu.memory_space<semaphore_mem>>)
      %dma_wait3A_115 = tpu.memref_slice %arg5[%add3A_112] : memref<100352xf32, #tpu.memory_space<hbm>> -> memref<3136xf32, #tpu.memory_space<hbm>>
      %dma_wait3A_116 = tpu.memref_slice %arg5[%add3A_112] : memref<100352xf32, #tpu.memory_space<hbm>> -> memref<3136xf32, #tpu.memory_space<hbm>>
      tpu.wait_dma2 semaphore(%run_scoped3A : memref<!tpu.dma_semaphore, #tpu.memory_space<semaphore_mem>>) src(%arg21 : memref<3136xf32, #tpu.memory_space<vmem>>) dst(%dma_wait3A_116 : memref<3136xf32, #tpu.memory_space<hbm>>)
      tpu.yield
    }) : () -> ()
    return
  }
}

#map = affine_map<(d0, d1) -> (0)>
module attributes {stable_mosaic.version = 14 : i64} {
  func.func @_sc_degree(%arg0: i32, %arg1: i32, %arg2: memref<800000xi32, #tpu.memory_space<hbm>>, %arg3: memref<100352xf32, #tpu.memory_space<hbm>>, %arg4: memref<5000xi32, #tpu.memory_space<vmem>>, %arg5: memref<5000xi32, #tpu.memory_space<vmem>>, %arg6: memref<5000xi32, #tpu.memory_space<vmem>>, %arg7: memref<5000xi32, #tpu.memory_space<vmem>>, %arg8: memref<5000xi32, #tpu.memory_space<vmem>>, %arg9: memref<5008xf32, #tpu.memory_space<vmem>>, %arg10: memref<3136xf32, #tpu.memory_space<vmem>>, %arg11: memref<50176xf32, #tpu.memory_space<vmem_shared>>, %arg12: memref<!tpu.dma_semaphore, #tpu.memory_space<semaphore_mem>>, %arg13: memref<!tpu.dma_semaphore, #tpu.memory_space<semaphore_mem>>) attributes {dimension_semantics = [#tpu.dimension_semantics<core_parallel>, #tpu.dimension_semantics<subcore_parallel>], iteration_bounds = array<i64: 2, 16>, scalar_prefetch = 0 : i64, scratch_operands = 10 : i64, tpu.core_type = #tpu.core_type<sc_vector_subcore>, window_params = [{transform_indices = #map}, {transform_indices = #map}]} {
    %mul3A = arith.constant 16 : i32
    %mul3A_0 = arith.muli %arg0, %mul3A : i32
    %add3A = arith.addi %mul3A_0, %arg1 : i32
    %mul3A_1 = arith.constant 25000 : i32
    %mul3A_2 = arith.muli %add3A, %mul3A_1 : i32
    %add3A_3 = arith.constant 0 : i32
    %add3A_4 = arith.addi %mul3A_2, %add3A_3 : i32
    %dma_start3A = tpu.memref_slice %arg2[%add3A_4] : memref<800000xi32, #tpu.memory_space<hbm>> -> memref<5000xi32, #tpu.memory_space<hbm>>
    %dma_start3A_5 = tpu.memref_slice %arg2[%add3A_4] : memref<800000xi32, #tpu.memory_space<hbm>> -> memref<5000xi32, #tpu.memory_space<hbm>>
    tpu.enqueue_dma source(%dma_start3A_5 : memref<5000xi32, #tpu.memory_space<hbm>>) target(%arg4 : memref<5000xi32, #tpu.memory_space<vmem>>) target_semaphore(%arg12 : memref<!tpu.dma_semaphore, #tpu.memory_space<semaphore_mem>>)
    %add3A_6 = arith.constant 5000 : i32
    %add3A_7 = arith.addi %mul3A_2, %add3A_6 : i32
    %dma_start3A_8 = tpu.memref_slice %arg2[%add3A_7] : memref<800000xi32, #tpu.memory_space<hbm>> -> memref<5000xi32, #tpu.memory_space<hbm>>
    %dma_start3A_9 = tpu.memref_slice %arg2[%add3A_7] : memref<800000xi32, #tpu.memory_space<hbm>> -> memref<5000xi32, #tpu.memory_space<hbm>>
    tpu.enqueue_dma source(%dma_start3A_9 : memref<5000xi32, #tpu.memory_space<hbm>>) target(%arg5 : memref<5000xi32, #tpu.memory_space<vmem>>) target_semaphore(%arg12 : memref<!tpu.dma_semaphore, #tpu.memory_space<semaphore_mem>>)
    %add3A_10 = arith.constant 10000 : i32
    %add3A_11 = arith.addi %mul3A_2, %add3A_10 : i32
    %dma_start3A_12 = tpu.memref_slice %arg2[%add3A_11] : memref<800000xi32, #tpu.memory_space<hbm>> -> memref<5000xi32, #tpu.memory_space<hbm>>
    %dma_start3A_13 = tpu.memref_slice %arg2[%add3A_11] : memref<800000xi32, #tpu.memory_space<hbm>> -> memref<5000xi32, #tpu.memory_space<hbm>>
    tpu.enqueue_dma source(%dma_start3A_13 : memref<5000xi32, #tpu.memory_space<hbm>>) target(%arg6 : memref<5000xi32, #tpu.memory_space<vmem>>) target_semaphore(%arg12 : memref<!tpu.dma_semaphore, #tpu.memory_space<semaphore_mem>>)
    %add3A_14 = arith.constant 15000 : i32
    %add3A_15 = arith.addi %mul3A_2, %add3A_14 : i32
    %dma_start3A_16 = tpu.memref_slice %arg2[%add3A_15] : memref<800000xi32, #tpu.memory_space<hbm>> -> memref<5000xi32, #tpu.memory_space<hbm>>
    %dma_start3A_17 = tpu.memref_slice %arg2[%add3A_15] : memref<800000xi32, #tpu.memory_space<hbm>> -> memref<5000xi32, #tpu.memory_space<hbm>>
    tpu.enqueue_dma source(%dma_start3A_17 : memref<5000xi32, #tpu.memory_space<hbm>>) target(%arg7 : memref<5000xi32, #tpu.memory_space<vmem>>) target_semaphore(%arg12 : memref<!tpu.dma_semaphore, #tpu.memory_space<semaphore_mem>>)
    %add3A_18 = arith.constant 20000 : i32
    %add3A_19 = arith.addi %mul3A_2, %add3A_18 : i32
    %dma_start3A_20 = tpu.memref_slice %arg2[%add3A_19] : memref<800000xi32, #tpu.memory_space<hbm>> -> memref<5000xi32, #tpu.memory_space<hbm>>
    %dma_start3A_21 = tpu.memref_slice %arg2[%add3A_19] : memref<800000xi32, #tpu.memory_space<hbm>> -> memref<5000xi32, #tpu.memory_space<hbm>>
    tpu.enqueue_dma source(%dma_start3A_21 : memref<5000xi32, #tpu.memory_space<hbm>>) target(%arg8 : memref<5000xi32, #tpu.memory_space<vmem>>) target_semaphore(%arg12 : memref<!tpu.dma_semaphore, #tpu.memory_space<semaphore_mem>>)
    %scan3A = arith.constant 0 : i32
    %scan3A_22 = arith.constant 313 : i32
    %scan3A_23 = arith.addi %scan3A, %scan3A_22 : i32
    %scan3A_24 = arith.constant 1 : i32
    scf.for %scan3A_90 = %scan3A to %scan3A_23 step %scan3A_24  : i32 {
      %mul3A_91 = arith.constant 16 : i32
      %mul3A_92 = arith.muli %scan3A_90, %mul3A_91 : i32
      %add3A_93 = arith.constant 0 : i32
      %add3A_94 = arith.addi %add3A_93, %mul3A_92 : i32
      %broadcast_in_dim3A = arith.constant 1.000000e+00 : f32
      %broadcast_in_dim3A_95 = vector.broadcast %broadcast_in_dim3A : f32 to vector<16xf32>
      %swap3A = arith.index_cast %add3A_94 : i32 to index
      %swap3A_96 = tpu.vector_load %arg9[%swap3A] {strides = array<i32>} : memref<5008xf32, #tpu.memory_space<vmem>>, vector<16xf32>,
      %swap3A_97 = vector.shape_cast %swap3A_96 : vector<16xf32> to vector<16xf32>
      %swap3A_98 = vector.shape_cast %broadcast_in_dim3A_95 : vector<16xf32> to vector<16xf32>
      tpu.vector_store %arg9[%swap3A], %swap3A_98 {strides = array<i32>} : memref<5008xf32, #tpu.memory_space<vmem>>, vector<16xf32>,
    }
    %scan3A_25 = arith.constant 313 : i32
    %scan3A_26 = arith.constant 0 : i32
    %scan3A_27 = arith.constant 196 : i32
    %scan3A_28 = arith.addi %scan3A_26, %scan3A_27 : i32
    %scan3A_29 = arith.constant 1 : i32
    scf.for %scan3A_90 = %scan3A_26 to %scan3A_28 step %scan3A_29  : i32 {
      %mul3A_91 = arith.constant 16 : i32
      %mul3A_92 = arith.muli %scan3A_90, %mul3A_91 : i32
      %add3A_93 = arith.constant 0 : i32
      %add3A_94 = arith.addi %add3A_93, %mul3A_92 : i32
      %broadcast_in_dim3A = arith.constant 0.000000e+00 : f32
      %broadcast_in_dim3A_95 = vector.broadcast %broadcast_in_dim3A : f32 to vector<16xf32>
      %swap3A = arith.index_cast %add3A_94 : i32 to index
      %swap3A_96 = tpu.vector_load %arg10[%swap3A] {strides = array<i32>} : memref<3136xf32, #tpu.memory_space<vmem>>, vector<16xf32>,
      %swap3A_97 = vector.shape_cast %swap3A_96 : vector<16xf32> to vector<16xf32>
      %swap3A_98 = vector.shape_cast %broadcast_in_dim3A_95 : vector<16xf32> to vector<16xf32>
      tpu.vector_store %arg10[%swap3A], %swap3A_98 {strides = array<i32>} : memref<3136xf32, #tpu.memory_space<vmem>>, vector<16xf32>,
    }
    %scan3A_30 = arith.constant 196 : i32
    %mul3A_31 = arith.constant 3136 : i32
    %mul3A_32 = arith.muli %arg1, %mul3A_31 : i32
    "tpu.region"() ({
      %run_scoped3A = tpu.sem_alloc : memref<!tpu.dma_semaphore, #tpu.memory_space<semaphore_mem>>
      %dma_start3A_90 = tpu.memref_slice %arg11[%mul3A_32] : memref<50176xf32, #tpu.memory_space<vmem_shared>> -> memref<3136xf32, #tpu.memory_space<vmem_shared>>
      %dma_start3A_91 = tpu.memref_slice %arg11[%mul3A_32] : memref<50176xf32, #tpu.memory_space<vmem_shared>> -> memref<3136xf32, #tpu.memory_space<vmem_shared>>
      tpu.enqueue_dma source(%arg10 : memref<3136xf32, #tpu.memory_space<vmem>>) target(%dma_start3A_91 : memref<3136xf32, #tpu.memory_space<vmem_shared>>) target_semaphore(%run_scoped3A : memref<!tpu.dma_semaphore, #tpu.memory_space<semaphore_mem>>)
      %dma_wait3A_92 = tpu.memref_slice %arg11[%mul3A_32] : memref<50176xf32, #tpu.memory_space<vmem_shared>> -> memref<3136xf32, #tpu.memory_space<vmem_shared>>
      %dma_wait3A_93 = tpu.memref_slice %arg11[%mul3A_32] : memref<50176xf32, #tpu.memory_space<vmem_shared>> -> memref<3136xf32, #tpu.memory_space<vmem_shared>>
      tpu.wait_dma2 semaphore(%run_scoped3A : memref<!tpu.dma_semaphore, #tpu.memory_space<semaphore_mem>>) src(%arg10 : memref<3136xf32, #tpu.memory_space<vmem>>) dst(%dma_wait3A_93 : memref<3136xf32, #tpu.memory_space<vmem_shared>>)
      tpu.yield
    }) : () -> ()
    %barrier3A = arith.constant 0 : index
    tpu.barrier barrier_id(%barrier3A)
    %dma_wait3A = tpu.memref_slice %arg2[%add3A_4] : memref<800000xi32, #tpu.memory_space<hbm>> -> memref<5000xi32, #tpu.memory_space<hbm>>
    %dma_wait3A_33 = tpu.memref_slice %arg2[%add3A_4] : memref<800000xi32, #tpu.memory_space<hbm>> -> memref<5000xi32, #tpu.memory_space<hbm>>
    tpu.wait_dma2 semaphore(%arg12 : memref<!tpu.dma_semaphore, #tpu.memory_space<semaphore_mem>>) src(%dma_wait3A_33 : memref<5000xi32, #tpu.memory_space<hbm>>) dst(%arg4 : memref<5000xi32, #tpu.memory_space<vmem>>)
    %dma_start3A_34 = arith.constant 0 : i32
    %dma_start3A_35 = tpu.memref_slice %arg9[%dma_start3A_34] : memref<5008xf32, #tpu.memory_space<vmem>> -> memref<5000xf32, #tpu.memory_space<vmem>>
    %dma_start3A_36 = arith.constant 0 : i32
    %dma_start3A_37 = tpu.memref_slice %arg11[%dma_start3A_36] : memref<50176xf32, #tpu.memory_space<vmem_shared>> -> memref<50176xf32, #tpu.memory_space<vmem_shared>>
    tpu.enqueue_indirect_dma source(%dma_start3A_35 : memref<5000xf32, #tpu.memory_space<vmem>>) target(%dma_start3A_37 : memref<50176xf32, #tpu.memory_space<vmem_shared>>) offsets(%arg4 : memref<5000xi32, #tpu.memory_space<vmem>>) semaphore(%arg13 : memref<!tpu.dma_semaphore, #tpu.memory_space<semaphore_mem>>) {add = true}
    %dma_wait3A_38 = tpu.memref_slice %arg2[%add3A_7] : memref<800000xi32, #tpu.memory_space<hbm>> -> memref<5000xi32, #tpu.memory_space<hbm>>
    %dma_wait3A_39 = tpu.memref_slice %arg2[%add3A_7] : memref<800000xi32, #tpu.memory_space<hbm>> -> memref<5000xi32, #tpu.memory_space<hbm>>
    tpu.wait_dma2 semaphore(%arg12 : memref<!tpu.dma_semaphore, #tpu.memory_space<semaphore_mem>>) src(%dma_wait3A_39 : memref<5000xi32, #tpu.memory_space<hbm>>) dst(%arg5 : memref<5000xi32, #tpu.memory_space<vmem>>)
    %dma_start3A_40 = arith.constant 0 : i32
    %dma_start3A_41 = tpu.memref_slice %arg9[%dma_start3A_40] : memref<5008xf32, #tpu.memory_space<vmem>> -> memref<5000xf32, #tpu.memory_space<vmem>>
    %dma_start3A_42 = arith.constant 0 : i32
    %dma_start3A_43 = tpu.memref_slice %arg11[%dma_start3A_42] : memref<50176xf32, #tpu.memory_space<vmem_shared>> -> memref<50176xf32, #tpu.memory_space<vmem_shared>>
    tpu.enqueue_indirect_dma source(%dma_start3A_41 : memref<5000xf32, #tpu.memory_space<vmem>>) target(%dma_start3A_43 : memref<50176xf32, #tpu.memory_space<vmem_shared>>) offsets(%arg5 : memref<5000xi32, #tpu.memory_space<vmem>>) semaphore(%arg13 : memref<!tpu.dma_semaphore, #tpu.memory_space<semaphore_mem>>) {add = true}
    %dma_wait3A_44 = tpu.memref_slice %arg2[%add3A_11] : memref<800000xi32, #tpu.memory_space<hbm>> -> memref<5000xi32, #tpu.memory_space<hbm>>
    %dma_wait3A_45 = tpu.memref_slice %arg2[%add3A_11] : memref<800000xi32, #tpu.memory_space<hbm>> -> memref<5000xi32, #tpu.memory_space<hbm>>
    tpu.wait_dma2 semaphore(%arg12 : memref<!tpu.dma_semaphore, #tpu.memory_space<semaphore_mem>>) src(%dma_wait3A_45 : memref<5000xi32, #tpu.memory_space<hbm>>) dst(%arg6 : memref<5000xi32, #tpu.memory_space<vmem>>)
    %dma_start3A_46 = arith.constant 0 : i32
    %dma_start3A_47 = tpu.memref_slice %arg9[%dma_start3A_46] : memref<5008xf32, #tpu.memory_space<vmem>> -> memref<5000xf32, #tpu.memory_space<vmem>>
    %dma_start3A_48 = arith.constant 0 : i32
    %dma_start3A_49 = tpu.memref_slice %arg11[%dma_start3A_48] : memref<50176xf32, #tpu.memory_space<vmem_shared>> -> memref<50176xf32, #tpu.memory_space<vmem_shared>>
    tpu.enqueue_indirect_dma source(%dma_start3A_47 : memref<5000xf32, #tpu.memory_space<vmem>>) target(%dma_start3A_49 : memref<50176xf32, #tpu.memory_space<vmem_shared>>) offsets(%arg6 : memref<5000xi32, #tpu.memory_space<vmem>>) semaphore(%arg13 : memref<!tpu.dma_semaphore, #tpu.memory_space<semaphore_mem>>) {add = true}
    %dma_wait3A_50 = tpu.memref_slice %arg2[%add3A_15] : memref<800000xi32, #tpu.memory_space<hbm>> -> memref<5000xi32, #tpu.memory_space<hbm>>
    %dma_wait3A_51 = tpu.memref_slice %arg2[%add3A_15] : memref<800000xi32, #tpu.memory_space<hbm>> -> memref<5000xi32, #tpu.memory_space<hbm>>
    tpu.wait_dma2 semaphore(%arg12 : memref<!tpu.dma_semaphore, #tpu.memory_space<semaphore_mem>>) src(%dma_wait3A_51 : memref<5000xi32, #tpu.memory_space<hbm>>) dst(%arg7 : memref<5000xi32, #tpu.memory_space<vmem>>)
    %dma_start3A_52 = arith.constant 0 : i32
    %dma_start3A_53 = tpu.memref_slice %arg9[%dma_start3A_52] : memref<5008xf32, #tpu.memory_space<vmem>> -> memref<5000xf32, #tpu.memory_space<vmem>>
    %dma_start3A_54 = arith.constant 0 : i32
    %dma_start3A_55 = tpu.memref_slice %arg11[%dma_start3A_54] : memref<50176xf32, #tpu.memory_space<vmem_shared>> -> memref<50176xf32, #tpu.memory_space<vmem_shared>>
    tpu.enqueue_indirect_dma source(%dma_start3A_53 : memref<5000xf32, #tpu.memory_space<vmem>>) target(%dma_start3A_55 : memref<50176xf32, #tpu.memory_space<vmem_shared>>) offsets(%arg7 : memref<5000xi32, #tpu.memory_space<vmem>>) semaphore(%arg13 : memref<!tpu.dma_semaphore, #tpu.memory_space<semaphore_mem>>) {add = true}
    %dma_wait3A_56 = tpu.memref_slice %arg2[%add3A_19] : memref<800000xi32, #tpu.memory_space<hbm>> -> memref<5000xi32, #tpu.memory_space<hbm>>
    %dma_wait3A_57 = tpu.memref_slice %arg2[%add3A_19] : memref<800000xi32, #tpu.memory_space<hbm>> -> memref<5000xi32, #tpu.memory_space<hbm>>
    tpu.wait_dma2 semaphore(%arg12 : memref<!tpu.dma_semaphore, #tpu.memory_space<semaphore_mem>>) src(%dma_wait3A_57 : memref<5000xi32, #tpu.memory_space<hbm>>) dst(%arg8 : memref<5000xi32, #tpu.memory_space<vmem>>)
    %dma_start3A_58 = arith.constant 0 : i32
    %dma_start3A_59 = tpu.memref_slice %arg9[%dma_start3A_58] : memref<5008xf32, #tpu.memory_space<vmem>> -> memref<5000xf32, #tpu.memory_space<vmem>>
    %dma_start3A_60 = arith.constant 0 : i32
    %dma_start3A_61 = tpu.memref_slice %arg11[%dma_start3A_60] : memref<50176xf32, #tpu.memory_space<vmem_shared>> -> memref<50176xf32, #tpu.memory_space<vmem_shared>>
    tpu.enqueue_indirect_dma source(%dma_start3A_59 : memref<5000xf32, #tpu.memory_space<vmem>>) target(%dma_start3A_61 : memref<50176xf32, #tpu.memory_space<vmem_shared>>) offsets(%arg8 : memref<5000xi32, #tpu.memory_space<vmem>>) semaphore(%arg13 : memref<!tpu.dma_semaphore, #tpu.memory_space<semaphore_mem>>) {add = true}
    %dma_wait3A_62 = arith.constant 0 : i32
    %dma_wait3A_63 = tpu.memref_slice %arg9[%dma_wait3A_62] : memref<5008xf32, #tpu.memory_space<vmem>> -> memref<5000xf32, #tpu.memory_space<vmem>>
    %dma_wait3A_64 = arith.constant 0 : i32
    %dma_wait3A_65 = tpu.memref_slice %arg11[%dma_wait3A_64] : memref<50176xf32, #tpu.memory_space<vmem_shared>> -> memref<50176xf32, #tpu.memory_space<vmem_shared>>
    tpu.wait_indirect_dma semaphore(%arg13 : memref<!tpu.dma_semaphore, #tpu.memory_space<semaphore_mem>>) src(%dma_wait3A_63 : memref<5000xf32, #tpu.memory_space<vmem>>) dst(%dma_wait3A_65 : memref<50176xf32, #tpu.memory_space<vmem_shared>>)
    %dma_wait3A_66 = arith.constant 0 : i32
    %dma_wait3A_67 = tpu.memref_slice %arg9[%dma_wait3A_66] : memref<5008xf32, #tpu.memory_space<vmem>> -> memref<5000xf32, #tpu.memory_space<vmem>>
    %dma_wait3A_68 = arith.constant 0 : i32
    %dma_wait3A_69 = tpu.memref_slice %arg11[%dma_wait3A_68] : memref<50176xf32, #tpu.memory_space<vmem_shared>> -> memref<50176xf32, #tpu.memory_space<vmem_shared>>
    tpu.wait_indirect_dma semaphore(%arg13 : memref<!tpu.dma_semaphore, #tpu.memory_space<semaphore_mem>>) src(%dma_wait3A_67 : memref<5000xf32, #tpu.memory_space<vmem>>) dst(%dma_wait3A_69 : memref<50176xf32, #tpu.memory_space<vmem_shared>>)
    %dma_wait3A_70 = arith.constant 0 : i32
    %dma_wait3A_71 = tpu.memref_slice %arg9[%dma_wait3A_70] : memref<5008xf32, #tpu.memory_space<vmem>> -> memref<5000xf32, #tpu.memory_space<vmem>>
    %dma_wait3A_72 = arith.constant 0 : i32
    %dma_wait3A_73 = tpu.memref_slice %arg11[%dma_wait3A_72] : memref<50176xf32, #tpu.memory_space<vmem_shared>> -> memref<50176xf32, #tpu.memory_space<vmem_shared>>
    tpu.wait_indirect_dma semaphore(%arg13 : memref<!tpu.dma_semaphore, #tpu.memory_space<semaphore_mem>>) src(%dma_wait3A_71 : memref<5000xf32, #tpu.memory_space<vmem>>) dst(%dma_wait3A_73 : memref<50176xf32, #tpu.memory_space<vmem_shared>>)
    %dma_wait3A_74 = arith.constant 0 : i32
    %dma_wait3A_75 = tpu.memref_slice %arg9[%dma_wait3A_74] : memref<5008xf32, #tpu.memory_space<vmem>> -> memref<5000xf32, #tpu.memory_space<vmem>>
    %dma_wait3A_76 = arith.constant 0 : i32
    %dma_wait3A_77 = tpu.memref_slice %arg11[%dma_wait3A_76] : memref<50176xf32, #tpu.memory_space<vmem_shared>> -> memref<50176xf32, #tpu.memory_space<vmem_shared>>
    tpu.wait_indirect_dma semaphore(%arg13 : memref<!tpu.dma_semaphore, #tpu.memory_space<semaphore_mem>>) src(%dma_wait3A_75 : memref<5000xf32, #tpu.memory_space<vmem>>) dst(%dma_wait3A_77 : memref<50176xf32, #tpu.memory_space<vmem_shared>>)
    %dma_wait3A_78 = arith.constant 0 : i32
    %dma_wait3A_79 = tpu.memref_slice %arg9[%dma_wait3A_78] : memref<5008xf32, #tpu.memory_space<vmem>> -> memref<5000xf32, #tpu.memory_space<vmem>>
    %dma_wait3A_80 = arith.constant 0 : i32
    %dma_wait3A_81 = tpu.memref_slice %arg11[%dma_wait3A_80] : memref<50176xf32, #tpu.memory_space<vmem_shared>> -> memref<50176xf32, #tpu.memory_space<vmem_shared>>
    tpu.wait_indirect_dma semaphore(%arg13 : memref<!tpu.dma_semaphore, #tpu.memory_space<semaphore_mem>>) src(%dma_wait3A_79 : memref<5000xf32, #tpu.memory_space<vmem>>) dst(%dma_wait3A_81 : memref<50176xf32, #tpu.memory_space<vmem_shared>>)
    %barrier3A_82 = arith.constant 0 : index
    tpu.barrier barrier_id(%barrier3A_82)
    %mul3A_83 = arith.constant 3136 : i32
    %mul3A_84 = arith.muli %arg1, %mul3A_83 : i32
    "tpu.region"() ({
      %run_scoped3A = tpu.sem_alloc : memref<!tpu.dma_semaphore, #tpu.memory_space<semaphore_mem>>
      %dma_start3A_90 = tpu.memref_slice %arg11[%mul3A_84] : memref<50176xf32, #tpu.memory_space<vmem_shared>> -> memref<3136xf32, #tpu.memory_space<vmem_shared>>
      %dma_start3A_91 = tpu.memref_slice %arg11[%mul3A_84] : memref<50176xf32, #tpu.memory_space<vmem_shared>> -> memref<3136xf32, #tpu.memory_space<vmem_shared>>
      tpu.enqueue_dma source(%dma_start3A_91 : memref<3136xf32, #tpu.memory_space<vmem_shared>>) target(%arg10 : memref<3136xf32, #tpu.memory_space<vmem>>) target_semaphore(%run_scoped3A : memref<!tpu.dma_semaphore, #tpu.memory_space<semaphore_mem>>)
      %dma_wait3A_92 = tpu.memref_slice %arg11[%mul3A_84] : memref<50176xf32, #tpu.memory_space<vmem_shared>> -> memref<3136xf32, #tpu.memory_space<vmem_shared>>
      %dma_wait3A_93 = tpu.memref_slice %arg11[%mul3A_84] : memref<50176xf32, #tpu.memory_space<vmem_shared>> -> memref<3136xf32, #tpu.memory_space<vmem_shared>>
      tpu.wait_dma2 semaphore(%run_scoped3A : memref<!tpu.dma_semaphore, #tpu.memory_space<semaphore_mem>>) src(%dma_wait3A_93 : memref<3136xf32, #tpu.memory_space<vmem_shared>>) dst(%arg10 : memref<3136xf32, #tpu.memory_space<vmem>>)
      tpu.yield
    }) : () -> ()
    %mul3A_85 = arith.constant 50176 : i32
    %mul3A_86 = arith.muli %arg0, %mul3A_85 : i32
    %mul3A_87 = arith.constant 3136 : i32
    %mul3A_88 = arith.muli %arg1, %mul3A_87 : i32
    %add3A_89 = arith.addi %mul3A_86, %mul3A_88 : i32
    "tpu.region"() ({
      %run_scoped3A = tpu.sem_alloc : memref<!tpu.dma_semaphore, #tpu.memory_space<semaphore_mem>>
      %dma_start3A_90 = tpu.memref_slice %arg3[%add3A_89] : memref<100352xf32, #tpu.memory_space<hbm>> -> memref<3136xf32, #tpu.memory_space<hbm>>
      %dma_start3A_91 = tpu.memref_slice %arg3[%add3A_89] : memref<100352xf32, #tpu.memory_space<hbm>> -> memref<3136xf32, #tpu.memory_space<hbm>>
      tpu.enqueue_dma source(%arg10 : memref<3136xf32, #tpu.memory_space<vmem>>) target(%dma_start3A_91 : memref<3136xf32, #tpu.memory_space<hbm>>) target_semaphore(%run_scoped3A : memref<!tpu.dma_semaphore, #tpu.memory_space<semaphore_mem>>)
      %dma_wait3A_92 = tpu.memref_slice %arg3[%add3A_89] : memref<100352xf32, #tpu.memory_space<hbm>> -> memref<3136xf32, #tpu.memory_space<hbm>>
      %dma_wait3A_93 = tpu.memref_slice %arg3[%add3A_89] : memref<100352xf32, #tpu.memory_space<hbm>> -> memref<3136xf32, #tpu.memory_space<hbm>>
      tpu.wait_dma2 semaphore(%run_scoped3A : memref<!tpu.dma_semaphore, #tpu.memory_space<semaphore_mem>>) src(%arg10 : memref<3136xf32, #tpu.memory_space<vmem>>) dst(%dma_wait3A_93 : memref<3136xf32, #tpu.memory_space<hbm>>)
      tpu.yield
    }) : () -> ()
    return
  }
}

#map = affine_map<(d0, d1) -> (0)>
module attributes {stable_mosaic.version = 14 : i64} {
  func.func @_sc_pass(%arg0: i32, %arg1: i32, %arg2: memref<800000xi32, #tpu.memory_space<hbm>>, %arg3: memref<800000xi32, #tpu.memory_space<hbm>>, %arg4: memref<50176xf32, #tpu.memory_space<hbm>>, %arg5: memref<100352xf32, #tpu.memory_space<hbm>>, %arg6: memref<5000xi32, #tpu.memory_space<vmem>>, %arg7: memref<5000xi32, #tpu.memory_space<vmem>>, %arg8: memref<5000xi32, #tpu.memory_space<vmem>>, %arg9: memref<5000xi32, #tpu.memory_space<vmem>>, %arg10: memref<5000xi32, #tpu.memory_space<vmem>>, %arg11: memref<5000xi32, #tpu.memory_space<vmem>>, %arg12: memref<5000xi32, #tpu.memory_space<vmem>>, %arg13: memref<5000xi32, #tpu.memory_space<vmem>>, %arg14: memref<5000xi32, #tpu.memory_space<vmem>>, %arg15: memref<5000xi32, #tpu.memory_space<vmem>>, %arg16: memref<5000xf32, #tpu.memory_space<vmem>>, %arg17: memref<5000xf32, #tpu.memory_space<vmem>>, %arg18: memref<5000xf32, #tpu.memory_space<vmem>>, %arg19: memref<5000xf32, #tpu.memory_space<vmem>>, %arg20: memref<5000xf32, #tpu.memory_space<vmem>>, %arg21: memref<3136xf32, #tpu.memory_space<vmem>>, %arg22: memref<50176xf32, #tpu.memory_space<vmem_shared>>, %arg23: memref<50176xf32, #tpu.memory_space<vmem_shared>>, %arg24: memref<!tpu.dma_semaphore, #tpu.memory_space<semaphore_mem>>, %arg25: memref<!tpu.dma_semaphore, #tpu.memory_space<semaphore_mem>>, %arg26: memref<!tpu.dma_semaphore, #tpu.memory_space<semaphore_mem>>) attributes {dimension_semantics = [#tpu.dimension_semantics<core_parallel>, #tpu.dimension_semantics<subcore_parallel>], iteration_bounds = array<i64: 2, 16>, scalar_prefetch = 0 : i64, scratch_operands = 21 : i64, tpu.core_type = #tpu.core_type<sc_vector_subcore>, window_params = [{transform_indices = #map}, {transform_indices = #map}, {transform_indices = #map}, {transform_indices = #map}]} {
    %mul3A = arith.constant 3136 : i32
    %mul3A_0 = arith.muli %arg1, %mul3A : i32
    %mul3A_1 = arith.constant 16 : i32
    %mul3A_2 = arith.muli %arg0, %mul3A_1 : i32
    %add3A = arith.addi %mul3A_2, %arg1 : i32
    %mul3A_3 = arith.constant 25000 : i32
    %mul3A_4 = arith.muli %add3A, %mul3A_3 : i32
    %add3A_5 = arith.constant 0 : i32
    %add3A_6 = arith.addi %mul3A_4, %add3A_5 : i32
    %dma_start3A = tpu.memref_slice %arg2[%add3A_6] : memref<800000xi32, #tpu.memory_space<hbm>> -> memref<5000xi32, #tpu.memory_space<hbm>>
    %dma_start3A_7 = tpu.memref_slice %arg2[%add3A_6] : memref<800000xi32, #tpu.memory_space<hbm>> -> memref<5000xi32, #tpu.memory_space<hbm>>
    tpu.enqueue_dma source(%dma_start3A_7 : memref<5000xi32, #tpu.memory_space<hbm>>) target(%arg6 : memref<5000xi32, #tpu.memory_space<vmem>>) target_semaphore(%arg24 : memref<!tpu.dma_semaphore, #tpu.memory_space<semaphore_mem>>)
    %add3A_8 = arith.constant 5000 : i32
    %add3A_9 = arith.addi %mul3A_4, %add3A_8 : i32
    %dma_start3A_10 = tpu.memref_slice %arg2[%add3A_9] : memref<800000xi32, #tpu.memory_space<hbm>> -> memref<5000xi32, #tpu.memory_space<hbm>>
    %dma_start3A_11 = tpu.memref_slice %arg2[%add3A_9] : memref<800000xi32, #tpu.memory_space<hbm>> -> memref<5000xi32, #tpu.memory_space<hbm>>
    tpu.enqueue_dma source(%dma_start3A_11 : memref<5000xi32, #tpu.memory_space<hbm>>) target(%arg7 : memref<5000xi32, #tpu.memory_space<vmem>>) target_semaphore(%arg24 : memref<!tpu.dma_semaphore, #tpu.memory_space<semaphore_mem>>)
    %add3A_12 = arith.constant 10000 : i32
    %add3A_13 = arith.addi %mul3A_4, %add3A_12 : i32
    %dma_start3A_14 = tpu.memref_slice %arg2[%add3A_13] : memref<800000xi32, #tpu.memory_space<hbm>> -> memref<5000xi32, #tpu.memory_space<hbm>>
    %dma_start3A_15 = tpu.memref_slice %arg2[%add3A_13] : memref<800000xi32, #tpu.memory_space<hbm>> -> memref<5000xi32, #tpu.memory_space<hbm>>
    tpu.enqueue_dma source(%dma_start3A_15 : memref<5000xi32, #tpu.memory_space<hbm>>) target(%arg8 : memref<5000xi32, #tpu.memory_space<vmem>>) target_semaphore(%arg24 : memref<!tpu.dma_semaphore, #tpu.memory_space<semaphore_mem>>)
    %add3A_16 = arith.constant 15000 : i32
    %add3A_17 = arith.addi %mul3A_4, %add3A_16 : i32
    %dma_start3A_18 = tpu.memref_slice %arg2[%add3A_17] : memref<800000xi32, #tpu.memory_space<hbm>> -> memref<5000xi32, #tpu.memory_space<hbm>>
    %dma_start3A_19 = tpu.memref_slice %arg2[%add3A_17] : memref<800000xi32, #tpu.memory_space<hbm>> -> memref<5000xi32, #tpu.memory_space<hbm>>
    tpu.enqueue_dma source(%dma_start3A_19 : memref<5000xi32, #tpu.memory_space<hbm>>) target(%arg9 : memref<5000xi32, #tpu.memory_space<vmem>>) target_semaphore(%arg24 : memref<!tpu.dma_semaphore, #tpu.memory_space<semaphore_mem>>)
    %add3A_20 = arith.constant 20000 : i32
    %add3A_21 = arith.addi %mul3A_4, %add3A_20 : i32
    %dma_start3A_22 = tpu.memref_slice %arg2[%add3A_21] : memref<800000xi32, #tpu.memory_space<hbm>> -> memref<5000xi32, #tpu.memory_space<hbm>>
    %dma_start3A_23 = tpu.memref_slice %arg2[%add3A_21] : memref<800000xi32, #tpu.memory_space<hbm>> -> memref<5000xi32, #tpu.memory_space<hbm>>
    tpu.enqueue_dma source(%dma_start3A_23 : memref<5000xi32, #tpu.memory_space<hbm>>) target(%arg10 : memref<5000xi32, #tpu.memory_space<vmem>>) target_semaphore(%arg24 : memref<!tpu.dma_semaphore, #tpu.memory_space<semaphore_mem>>)
    %add3A_24 = arith.constant 0 : i32
    %add3A_25 = arith.addi %mul3A_4, %add3A_24 : i32
    %dma_start3A_26 = tpu.memref_slice %arg3[%add3A_25] : memref<800000xi32, #tpu.memory_space<hbm>> -> memref<5000xi32, #tpu.memory_space<hbm>>
    %dma_start3A_27 = tpu.memref_slice %arg3[%add3A_25] : memref<800000xi32, #tpu.memory_space<hbm>> -> memref<5000xi32, #tpu.memory_space<hbm>>
    tpu.enqueue_dma source(%dma_start3A_27 : memref<5000xi32, #tpu.memory_space<hbm>>) target(%arg11 : memref<5000xi32, #tpu.memory_space<vmem>>) target_semaphore(%arg24 : memref<!tpu.dma_semaphore, #tpu.memory_space<semaphore_mem>>)
    %add3A_28 = arith.constant 5000 : i32
    %add3A_29 = arith.addi %mul3A_4, %add3A_28 : i32
    %dma_start3A_30 = tpu.memref_slice %arg3[%add3A_29] : memref<800000xi32, #tpu.memory_space<hbm>> -> memref<5000xi32, #tpu.memory_space<hbm>>
    %dma_start3A_31 = tpu.memref_slice %arg3[%add3A_29] : memref<800000xi32, #tpu.memory_space<hbm>> -> memref<5000xi32, #tpu.memory_space<hbm>>
    tpu.enqueue_dma source(%dma_start3A_31 : memref<5000xi32, #tpu.memory_space<hbm>>) target(%arg12 : memref<5000xi32, #tpu.memory_space<vmem>>) target_semaphore(%arg24 : memref<!tpu.dma_semaphore, #tpu.memory_space<semaphore_mem>>)
    %add3A_32 = arith.constant 10000 : i32
    %add3A_33 = arith.addi %mul3A_4, %add3A_32 : i32
    %dma_start3A_34 = tpu.memref_slice %arg3[%add3A_33] : memref<800000xi32, #tpu.memory_space<hbm>> -> memref<5000xi32, #tpu.memory_space<hbm>>
    %dma_start3A_35 = tpu.memref_slice %arg3[%add3A_33] : memref<800000xi32, #tpu.memory_space<hbm>> -> memref<5000xi32, #tpu.memory_space<hbm>>
    tpu.enqueue_dma source(%dma_start3A_35 : memref<5000xi32, #tpu.memory_space<hbm>>) target(%arg13 : memref<5000xi32, #tpu.memory_space<vmem>>) target_semaphore(%arg24 : memref<!tpu.dma_semaphore, #tpu.memory_space<semaphore_mem>>)
    %add3A_36 = arith.constant 15000 : i32
    %add3A_37 = arith.addi %mul3A_4, %add3A_36 : i32
    %dma_start3A_38 = tpu.memref_slice %arg3[%add3A_37] : memref<800000xi32, #tpu.memory_space<hbm>> -> memref<5000xi32, #tpu.memory_space<hbm>>
    %dma_start3A_39 = tpu.memref_slice %arg3[%add3A_37] : memref<800000xi32, #tpu.memory_space<hbm>> -> memref<5000xi32, #tpu.memory_space<hbm>>
    tpu.enqueue_dma source(%dma_start3A_39 : memref<5000xi32, #tpu.memory_space<hbm>>) target(%arg14 : memref<5000xi32, #tpu.memory_space<vmem>>) target_semaphore(%arg24 : memref<!tpu.dma_semaphore, #tpu.memory_space<semaphore_mem>>)
    %add3A_40 = arith.constant 20000 : i32
    %add3A_41 = arith.addi %mul3A_4, %add3A_40 : i32
    %dma_start3A_42 = tpu.memref_slice %arg3[%add3A_41] : memref<800000xi32, #tpu.memory_space<hbm>> -> memref<5000xi32, #tpu.memory_space<hbm>>
    %dma_start3A_43 = tpu.memref_slice %arg3[%add3A_41] : memref<800000xi32, #tpu.memory_space<hbm>> -> memref<5000xi32, #tpu.memory_space<hbm>>
    tpu.enqueue_dma source(%dma_start3A_43 : memref<5000xi32, #tpu.memory_space<hbm>>) target(%arg15 : memref<5000xi32, #tpu.memory_space<vmem>>) target_semaphore(%arg24 : memref<!tpu.dma_semaphore, #tpu.memory_space<semaphore_mem>>)
    %scan3A = arith.constant 0 : i32
    %scan3A_44 = arith.constant 196 : i32
    %scan3A_45 = arith.addi %scan3A, %scan3A_44 : i32
    %scan3A_46 = arith.constant 1 : i32
    scf.for %scan3A_113 = %scan3A to %scan3A_45 step %scan3A_46  : i32 {
      %mul3A_114 = arith.constant 16 : i32
      %mul3A_115 = arith.muli %scan3A_113, %mul3A_114 : i32
      %add3A_116 = arith.constant 0 : i32
      %add3A_117 = arith.addi %add3A_116, %mul3A_115 : i32
      %broadcast_in_dim3A = arith.constant 0.000000e+00 : f32
      %broadcast_in_dim3A_118 = vector.broadcast %broadcast_in_dim3A : f32 to vector<16xf32>
      %swap3A = arith.index_cast %add3A_117 : i32 to index
      %swap3A_119 = tpu.vector_load %arg21[%swap3A] {strides = array<i32>} : memref<3136xf32, #tpu.memory_space<vmem>>, vector<16xf32>,
      %swap3A_120 = vector.shape_cast %swap3A_119 : vector<16xf32> to vector<16xf32>
      %swap3A_121 = vector.shape_cast %broadcast_in_dim3A_118 : vector<16xf32> to vector<16xf32>
      tpu.vector_store %arg21[%swap3A], %swap3A_121 {strides = array<i32>} : memref<3136xf32, #tpu.memory_space<vmem>>, vector<16xf32>,
    }
    %scan3A_47 = arith.constant 196 : i32
    "tpu.region"() ({
      %run_scoped3A = tpu.sem_alloc : memref<!tpu.dma_semaphore, #tpu.memory_space<semaphore_mem>>
      %dma_start3A_113 = tpu.memref_slice %arg22[%mul3A_0] : memref<50176xf32, #tpu.memory_space<vmem_shared>> -> memref<3136xf32, #tpu.memory_space<vmem_shared>>
      %dma_start3A_114 = tpu.memref_slice %arg22[%mul3A_0] : memref<50176xf32, #tpu.memory_space<vmem_shared>> -> memref<3136xf32, #tpu.memory_space<vmem_shared>>
      tpu.enqueue_dma source(%arg21 : memref<3136xf32, #tpu.memory_space<vmem>>) target(%dma_start3A_114 : memref<3136xf32, #tpu.memory_space<vmem_shared>>) target_semaphore(%run_scoped3A : memref<!tpu.dma_semaphore, #tpu.memory_space<semaphore_mem>>)
      %dma_wait3A_115 = tpu.memref_slice %arg22[%mul3A_0] : memref<50176xf32, #tpu.memory_space<vmem_shared>> -> memref<3136xf32, #tpu.memory_space<vmem_shared>>
      %dma_wait3A_116 = tpu.memref_slice %arg22[%mul3A_0] : memref<50176xf32, #tpu.memory_space<vmem_shared>> -> memref<3136xf32, #tpu.memory_space<vmem_shared>>
      tpu.wait_dma2 semaphore(%run_scoped3A : memref<!tpu.dma_semaphore, #tpu.memory_space<semaphore_mem>>) src(%arg21 : memref<3136xf32, #tpu.memory_space<vmem>>) dst(%dma_wait3A_116 : memref<3136xf32, #tpu.memory_space<vmem_shared>>)
      tpu.yield
    }) : () -> ()
    "tpu.region"() ({
      %run_scoped3A = tpu.sem_alloc : memref<!tpu.dma_semaphore, #tpu.memory_space<semaphore_mem>>
      %dma_start3A_113 = tpu.memref_slice %arg4[%mul3A_0] : memref<50176xf32, #tpu.memory_space<hbm>> -> memref<3136xf32, #tpu.memory_space<hbm>>
      %dma_start3A_114 = tpu.memref_slice %arg4[%mul3A_0] : memref<50176xf32, #tpu.memory_space<hbm>> -> memref<3136xf32, #tpu.memory_space<hbm>>
      tpu.enqueue_dma source(%dma_start3A_114 : memref<3136xf32, #tpu.memory_space<hbm>>) target(%arg21 : memref<3136xf32, #tpu.memory_space<vmem>>) target_semaphore(%run_scoped3A : memref<!tpu.dma_semaphore, #tpu.memory_space<semaphore_mem>>)
      %dma_wait3A_115 = tpu.memref_slice %arg4[%mul3A_0] : memref<50176xf32, #tpu.memory_space<hbm>> -> memref<3136xf32, #tpu.memory_space<hbm>>
      %dma_wait3A_116 = tpu.memref_slice %arg4[%mul3A_0] : memref<50176xf32, #tpu.memory_space<hbm>> -> memref<3136xf32, #tpu.memory_space<hbm>>
      tpu.wait_dma2 semaphore(%run_scoped3A : memref<!tpu.dma_semaphore, #tpu.memory_space<semaphore_mem>>) src(%dma_wait3A_116 : memref<3136xf32, #tpu.memory_space<hbm>>) dst(%arg21 : memref<3136xf32, #tpu.memory_space<vmem>>)
      tpu.yield
    }) : () -> ()
    "tpu.region"() ({
      %run_scoped3A = tpu.sem_alloc : memref<!tpu.dma_semaphore, #tpu.memory_space<semaphore_mem>>
      %dma_start3A_113 = tpu.memref_slice %arg23[%mul3A_0] : memref<50176xf32, #tpu.memory_space<vmem_shared>> -> memref<3136xf32, #tpu.memory_space<vmem_shared>>
      %dma_start3A_114 = tpu.memref_slice %arg23[%mul3A_0] : memref<50176xf32, #tpu.memory_space<vmem_shared>> -> memref<3136xf32, #tpu.memory_space<vmem_shared>>
      tpu.enqueue_dma source(%arg21 : memref<3136xf32, #tpu.memory_space<vmem>>) target(%dma_start3A_114 : memref<3136xf32, #tpu.memory_space<vmem_shared>>) target_semaphore(%run_scoped3A : memref<!tpu.dma_semaphore, #tpu.memory_space<semaphore_mem>>)
      %dma_wait3A_115 = tpu.memref_slice %arg23[%mul3A_0] : memref<50176xf32, #tpu.memory_space<vmem_shared>> -> memref<3136xf32, #tpu.memory_space<vmem_shared>>
      %dma_wait3A_116 = tpu.memref_slice %arg23[%mul3A_0] : memref<50176xf32, #tpu.memory_space<vmem_shared>> -> memref<3136xf32, #tpu.memory_space<vmem_shared>>
      tpu.wait_dma2 semaphore(%run_scoped3A : memref<!tpu.dma_semaphore, #tpu.memory_space<semaphore_mem>>) src(%arg21 : memref<3136xf32, #tpu.memory_space<vmem>>) dst(%dma_wait3A_116 : memref<3136xf32, #tpu.memory_space<vmem_shared>>)
      tpu.yield
    }) : () -> ()
    %barrier3A = arith.constant 0 : index
    tpu.barrier barrier_id(%barrier3A)
    %dma_wait3A = tpu.memref_slice %arg2[%add3A_6] : memref<800000xi32, #tpu.memory_space<hbm>> -> memref<5000xi32, #tpu.memory_space<hbm>>
    %dma_wait3A_48 = tpu.memref_slice %arg2[%add3A_6] : memref<800000xi32, #tpu.memory_space<hbm>> -> memref<5000xi32, #tpu.memory_space<hbm>>
    tpu.wait_dma2 semaphore(%arg24 : memref<!tpu.dma_semaphore, #tpu.memory_space<semaphore_mem>>) src(%dma_wait3A_48 : memref<5000xi32, #tpu.memory_space<hbm>>) dst(%arg6 : memref<5000xi32, #tpu.memory_space<vmem>>)
    %dma_start3A_49 = arith.constant 0 : i32
    %dma_start3A_50 = tpu.memref_slice %arg23[%dma_start3A_49] : memref<50176xf32, #tpu.memory_space<vmem_shared>> -> memref<50176xf32, #tpu.memory_space<vmem_shared>>
    tpu.enqueue_indirect_dma source(%dma_start3A_50 : memref<50176xf32, #tpu.memory_space<vmem_shared>>) target(%arg16 : memref<5000xf32, #tpu.memory_space<vmem>>) offsets(%arg6 : memref<5000xi32, #tpu.memory_space<vmem>>) semaphore(%arg25 : memref<!tpu.dma_semaphore, #tpu.memory_space<semaphore_mem>>)
    %dma_wait3A_51 = tpu.memref_slice %arg2[%add3A_9] : memref<800000xi32, #tpu.memory_space<hbm>> -> memref<5000xi32, #tpu.memory_space<hbm>>
    %dma_wait3A_52 = tpu.memref_slice %arg2[%add3A_9] : memref<800000xi32, #tpu.memory_space<hbm>> -> memref<5000xi32, #tpu.memory_space<hbm>>
    tpu.wait_dma2 semaphore(%arg24 : memref<!tpu.dma_semaphore, #tpu.memory_space<semaphore_mem>>) src(%dma_wait3A_52 : memref<5000xi32, #tpu.memory_space<hbm>>) dst(%arg7 : memref<5000xi32, #tpu.memory_space<vmem>>)
    %dma_start3A_53 = arith.constant 0 : i32
    %dma_start3A_54 = tpu.memref_slice %arg23[%dma_start3A_53] : memref<50176xf32, #tpu.memory_space<vmem_shared>> -> memref<50176xf32, #tpu.memory_space<vmem_shared>>
    tpu.enqueue_indirect_dma source(%dma_start3A_54 : memref<50176xf32, #tpu.memory_space<vmem_shared>>) target(%arg17 : memref<5000xf32, #tpu.memory_space<vmem>>) offsets(%arg7 : memref<5000xi32, #tpu.memory_space<vmem>>) semaphore(%arg25 : memref<!tpu.dma_semaphore, #tpu.memory_space<semaphore_mem>>)
    %dma_wait3A_55 = tpu.memref_slice %arg2[%add3A_13] : memref<800000xi32, #tpu.memory_space<hbm>> -> memref<5000xi32, #tpu.memory_space<hbm>>
    %dma_wait3A_56 = tpu.memref_slice %arg2[%add3A_13] : memref<800000xi32, #tpu.memory_space<hbm>> -> memref<5000xi32, #tpu.memory_space<hbm>>
    tpu.wait_dma2 semaphore(%arg24 : memref<!tpu.dma_semaphore, #tpu.memory_space<semaphore_mem>>) src(%dma_wait3A_56 : memref<5000xi32, #tpu.memory_space<hbm>>) dst(%arg8 : memref<5000xi32, #tpu.memory_space<vmem>>)
    %dma_start3A_57 = arith.constant 0 : i32
    %dma_start3A_58 = tpu.memref_slice %arg23[%dma_start3A_57] : memref<50176xf32, #tpu.memory_space<vmem_shared>> -> memref<50176xf32, #tpu.memory_space<vmem_shared>>
    tpu.enqueue_indirect_dma source(%dma_start3A_58 : memref<50176xf32, #tpu.memory_space<vmem_shared>>) target(%arg18 : memref<5000xf32, #tpu.memory_space<vmem>>) offsets(%arg8 : memref<5000xi32, #tpu.memory_space<vmem>>) semaphore(%arg25 : memref<!tpu.dma_semaphore, #tpu.memory_space<semaphore_mem>>)
    %dma_wait3A_59 = tpu.memref_slice %arg2[%add3A_17] : memref<800000xi32, #tpu.memory_space<hbm>> -> memref<5000xi32, #tpu.memory_space<hbm>>
    %dma_wait3A_60 = tpu.memref_slice %arg2[%add3A_17] : memref<800000xi32, #tpu.memory_space<hbm>> -> memref<5000xi32, #tpu.memory_space<hbm>>
    tpu.wait_dma2 semaphore(%arg24 : memref<!tpu.dma_semaphore, #tpu.memory_space<semaphore_mem>>) src(%dma_wait3A_60 : memref<5000xi32, #tpu.memory_space<hbm>>) dst(%arg9 : memref<5000xi32, #tpu.memory_space<vmem>>)
    %dma_start3A_61 = arith.constant 0 : i32
    %dma_start3A_62 = tpu.memref_slice %arg23[%dma_start3A_61] : memref<50176xf32, #tpu.memory_space<vmem_shared>> -> memref<50176xf32, #tpu.memory_space<vmem_shared>>
    tpu.enqueue_indirect_dma source(%dma_start3A_62 : memref<50176xf32, #tpu.memory_space<vmem_shared>>) target(%arg19 : memref<5000xf32, #tpu.memory_space<vmem>>) offsets(%arg9 : memref<5000xi32, #tpu.memory_space<vmem>>) semaphore(%arg25 : memref<!tpu.dma_semaphore, #tpu.memory_space<semaphore_mem>>)
    %dma_wait3A_63 = tpu.memref_slice %arg2[%add3A_21] : memref<800000xi32, #tpu.memory_space<hbm>> -> memref<5000xi32, #tpu.memory_space<hbm>>
    %dma_wait3A_64 = tpu.memref_slice %arg2[%add3A_21] : memref<800000xi32, #tpu.memory_space<hbm>> -> memref<5000xi32, #tpu.memory_space<hbm>>
    tpu.wait_dma2 semaphore(%arg24 : memref<!tpu.dma_semaphore, #tpu.memory_space<semaphore_mem>>) src(%dma_wait3A_64 : memref<5000xi32, #tpu.memory_space<hbm>>) dst(%arg10 : memref<5000xi32, #tpu.memory_space<vmem>>)
    %dma_start3A_65 = arith.constant 0 : i32
    %dma_start3A_66 = tpu.memref_slice %arg23[%dma_start3A_65] : memref<50176xf32, #tpu.memory_space<vmem_shared>> -> memref<50176xf32, #tpu.memory_space<vmem_shared>>
    tpu.enqueue_indirect_dma source(%dma_start3A_66 : memref<50176xf32, #tpu.memory_space<vmem_shared>>) target(%arg20 : memref<5000xf32, #tpu.memory_space<vmem>>) offsets(%arg10 : memref<5000xi32, #tpu.memory_space<vmem>>) semaphore(%arg25 : memref<!tpu.dma_semaphore, #tpu.memory_space<semaphore_mem>>)
    %dma_wait3A_67 = arith.constant 0 : i32
    %dma_wait3A_68 = tpu.memref_slice %arg23[%dma_wait3A_67] : memref<50176xf32, #tpu.memory_space<vmem_shared>> -> memref<50176xf32, #tpu.memory_space<vmem_shared>>
    tpu.wait_indirect_dma semaphore(%arg25 : memref<!tpu.dma_semaphore, #tpu.memory_space<semaphore_mem>>) src(%dma_wait3A_68 : memref<50176xf32, #tpu.memory_space<vmem_shared>>) dst(%arg16 : memref<5000xf32, #tpu.memory_space<vmem>>)
    %dma_wait3A_69 = tpu.memref_slice %arg3[%add3A_25] : memref<800000xi32, #tpu.memory_space<hbm>> -> memref<5000xi32, #tpu.memory_space<hbm>>
    %dma_wait3A_70 = tpu.memref_slice %arg3[%add3A_25] : memref<800000xi32, #tpu.memory_space<hbm>> -> memref<5000xi32, #tpu.memory_space<hbm>>
    tpu.wait_dma2 semaphore(%arg24 : memref<!tpu.dma_semaphore, #tpu.memory_space<semaphore_mem>>) src(%dma_wait3A_70 : memref<5000xi32, #tpu.memory_space<hbm>>) dst(%arg11 : memref<5000xi32, #tpu.memory_space<vmem>>)
    %dma_start3A_71 = arith.constant 0 : i32
    %dma_start3A_72 = tpu.memref_slice %arg22[%dma_start3A_71] : memref<50176xf32, #tpu.memory_space<vmem_shared>> -> memref<50176xf32, #tpu.memory_space<vmem_shared>>
    tpu.enqueue_indirect_dma source(%arg16 : memref<5000xf32, #tpu.memory_space<vmem>>) target(%dma_start3A_72 : memref<50176xf32, #tpu.memory_space<vmem_shared>>) offsets(%arg11 : memref<5000xi32, #tpu.memory_space<vmem>>) semaphore(%arg26 : memref<!tpu.dma_semaphore, #tpu.memory_space<semaphore_mem>>) {add = true}
    %dma_wait3A_73 = arith.constant 0 : i32
    %dma_wait3A_74 = tpu.memref_slice %arg23[%dma_wait3A_73] : memref<50176xf32, #tpu.memory_space<vmem_shared>> -> memref<50176xf32, #tpu.memory_space<vmem_shared>>
    tpu.wait_indirect_dma semaphore(%arg25 : memref<!tpu.dma_semaphore, #tpu.memory_space<semaphore_mem>>) src(%dma_wait3A_74 : memref<50176xf32, #tpu.memory_space<vmem_shared>>) dst(%arg17 : memref<5000xf32, #tpu.memory_space<vmem>>)
    %dma_wait3A_75 = tpu.memref_slice %arg3[%add3A_29] : memref<800000xi32, #tpu.memory_space<hbm>> -> memref<5000xi32, #tpu.memory_space<hbm>>
    %dma_wait3A_76 = tpu.memref_slice %arg3[%add3A_29] : memref<800000xi32, #tpu.memory_space<hbm>> -> memref<5000xi32, #tpu.memory_space<hbm>>
    tpu.wait_dma2 semaphore(%arg24 : memref<!tpu.dma_semaphore, #tpu.memory_space<semaphore_mem>>) src(%dma_wait3A_76 : memref<5000xi32, #tpu.memory_space<hbm>>) dst(%arg12 : memref<5000xi32, #tpu.memory_space<vmem>>)
    %dma_start3A_77 = arith.constant 0 : i32
    %dma_start3A_78 = tpu.memref_slice %arg22[%dma_start3A_77] : memref<50176xf32, #tpu.memory_space<vmem_shared>> -> memref<50176xf32, #tpu.memory_space<vmem_shared>>
    tpu.enqueue_indirect_dma source(%arg17 : memref<5000xf32, #tpu.memory_space<vmem>>) target(%dma_start3A_78 : memref<50176xf32, #tpu.memory_space<vmem_shared>>) offsets(%arg12 : memref<5000xi32, #tpu.memory_space<vmem>>) semaphore(%arg26 : memref<!tpu.dma_semaphore, #tpu.memory_space<semaphore_mem>>) {add = true}
    %dma_wait3A_79 = arith.constant 0 : i32
    %dma_wait3A_80 = tpu.memref_slice %arg23[%dma_wait3A_79] : memref<50176xf32, #tpu.memory_space<vmem_shared>> -> memref<50176xf32, #tpu.memory_space<vmem_shared>>
    tpu.wait_indirect_dma semaphore(%arg25 : memref<!tpu.dma_semaphore, #tpu.memory_space<semaphore_mem>>) src(%dma_wait3A_80 : memref<50176xf32, #tpu.memory_space<vmem_shared>>) dst(%arg18 : memref<5000xf32, #tpu.memory_space<vmem>>)
    %dma_wait3A_81 = tpu.memref_slice %arg3[%add3A_33] : memref<800000xi32, #tpu.memory_space<hbm>> -> memref<5000xi32, #tpu.memory_space<hbm>>
    %dma_wait3A_82 = tpu.memref_slice %arg3[%add3A_33] : memref<800000xi32, #tpu.memory_space<hbm>> -> memref<5000xi32, #tpu.memory_space<hbm>>
    tpu.wait_dma2 semaphore(%arg24 : memref<!tpu.dma_semaphore, #tpu.memory_space<semaphore_mem>>) src(%dma_wait3A_82 : memref<5000xi32, #tpu.memory_space<hbm>>) dst(%arg13 : memref<5000xi32, #tpu.memory_space<vmem>>)
    %dma_start3A_83 = arith.constant 0 : i32
    %dma_start3A_84 = tpu.memref_slice %arg22[%dma_start3A_83] : memref<50176xf32, #tpu.memory_space<vmem_shared>> -> memref<50176xf32, #tpu.memory_space<vmem_shared>>
    tpu.enqueue_indirect_dma source(%arg18 : memref<5000xf32, #tpu.memory_space<vmem>>) target(%dma_start3A_84 : memref<50176xf32, #tpu.memory_space<vmem_shared>>) offsets(%arg13 : memref<5000xi32, #tpu.memory_space<vmem>>) semaphore(%arg26 : memref<!tpu.dma_semaphore, #tpu.memory_space<semaphore_mem>>) {add = true}
    %dma_wait3A_85 = arith.constant 0 : i32
    %dma_wait3A_86 = tpu.memref_slice %arg23[%dma_wait3A_85] : memref<50176xf32, #tpu.memory_space<vmem_shared>> -> memref<50176xf32, #tpu.memory_space<vmem_shared>>
    tpu.wait_indirect_dma semaphore(%arg25 : memref<!tpu.dma_semaphore, #tpu.memory_space<semaphore_mem>>) src(%dma_wait3A_86 : memref<50176xf32, #tpu.memory_space<vmem_shared>>) dst(%arg19 : memref<5000xf32, #tpu.memory_space<vmem>>)
    %dma_wait3A_87 = tpu.memref_slice %arg3[%add3A_37] : memref<800000xi32, #tpu.memory_space<hbm>> -> memref<5000xi32, #tpu.memory_space<hbm>>
    %dma_wait3A_88 = tpu.memref_slice %arg3[%add3A_37] : memref<800000xi32, #tpu.memory_space<hbm>> -> memref<5000xi32, #tpu.memory_space<hbm>>
    tpu.wait_dma2 semaphore(%arg24 : memref<!tpu.dma_semaphore, #tpu.memory_space<semaphore_mem>>) src(%dma_wait3A_88 : memref<5000xi32, #tpu.memory_space<hbm>>) dst(%arg14 : memref<5000xi32, #tpu.memory_space<vmem>>)
    %dma_start3A_89 = arith.constant 0 : i32
    %dma_start3A_90 = tpu.memref_slice %arg22[%dma_start3A_89] : memref<50176xf32, #tpu.memory_space<vmem_shared>> -> memref<50176xf32, #tpu.memory_space<vmem_shared>>
    tpu.enqueue_indirect_dma source(%arg19 : memref<5000xf32, #tpu.memory_space<vmem>>) target(%dma_start3A_90 : memref<50176xf32, #tpu.memory_space<vmem_shared>>) offsets(%arg14 : memref<5000xi32, #tpu.memory_space<vmem>>) semaphore(%arg26 : memref<!tpu.dma_semaphore, #tpu.memory_space<semaphore_mem>>) {add = true}
    %dma_wait3A_91 = arith.constant 0 : i32
    %dma_wait3A_92 = tpu.memref_slice %arg23[%dma_wait3A_91] : memref<50176xf32, #tpu.memory_space<vmem_shared>> -> memref<50176xf32, #tpu.memory_space<vmem_shared>>
    tpu.wait_indirect_dma semaphore(%arg25 : memref<!tpu.dma_semaphore, #tpu.memory_space<semaphore_mem>>) src(%dma_wait3A_92 : memref<50176xf32, #tpu.memory_space<vmem_shared>>) dst(%arg20 : memref<5000xf32, #tpu.memory_space<vmem>>)
    %dma_wait3A_93 = tpu.memref_slice %arg3[%add3A_41] : memref<800000xi32, #tpu.memory_space<hbm>> -> memref<5000xi32, #tpu.memory_space<hbm>>
    %dma_wait3A_94 = tpu.memref_slice %arg3[%add3A_41] : memref<800000xi32, #tpu.memory_space<hbm>> -> memref<5000xi32, #tpu.memory_space<hbm>>
    tpu.wait_dma2 semaphore(%arg24 : memref<!tpu.dma_semaphore, #tpu.memory_space<semaphore_mem>>) src(%dma_wait3A_94 : memref<5000xi32, #tpu.memory_space<hbm>>) dst(%arg15 : memref<5000xi32, #tpu.memory_space<vmem>>)
    %dma_start3A_95 = arith.constant 0 : i32
    %dma_start3A_96 = tpu.memref_slice %arg22[%dma_start3A_95] : memref<50176xf32, #tpu.memory_space<vmem_shared>> -> memref<50176xf32, #tpu.memory_space<vmem_shared>>
    tpu.enqueue_indirect_dma source(%arg20 : memref<5000xf32, #tpu.memory_space<vmem>>) target(%dma_start3A_96 : memref<50176xf32, #tpu.memory_space<vmem_shared>>) offsets(%arg15 : memref<5000xi32, #tpu.memory_space<vmem>>) semaphore(%arg26 : memref<!tpu.dma_semaphore, #tpu.memory_space<semaphore_mem>>) {add = true}
    %dma_wait3A_97 = arith.constant 0 : i32
    %dma_wait3A_98 = tpu.memref_slice %arg22[%dma_wait3A_97] : memref<50176xf32, #tpu.memory_space<vmem_shared>> -> memref<50176xf32, #tpu.memory_space<vmem_shared>>
    tpu.wait_indirect_dma semaphore(%arg26 : memref<!tpu.dma_semaphore, #tpu.memory_space<semaphore_mem>>) src(%arg16 : memref<5000xf32, #tpu.memory_space<vmem>>) dst(%dma_wait3A_98 : memref<50176xf32, #tpu.memory_space<vmem_shared>>)
    %dma_wait3A_99 = arith.constant 0 : i32
    %dma_wait3A_100 = tpu.memref_slice %arg22[%dma_wait3A_99] : memref<50176xf32, #tpu.memory_space<vmem_shared>> -> memref<50176xf32, #tpu.memory_space<vmem_shared>>
    tpu.wait_indirect_dma semaphore(%arg26 : memref<!tpu.dma_semaphore, #tpu.memory_space<semaphore_mem>>) src(%arg17 : memref<5000xf32, #tpu.memory_space<vmem>>) dst(%dma_wait3A_100 : memref<50176xf32, #tpu.memory_space<vmem_shared>>)
    %dma_wait3A_101 = arith.constant 0 : i32
    %dma_wait3A_102 = tpu.memref_slice %arg22[%dma_wait3A_101] : memref<50176xf32, #tpu.memory_space<vmem_shared>> -> memref<50176xf32, #tpu.memory_space<vmem_shared>>
    tpu.wait_indirect_dma semaphore(%arg26 : memref<!tpu.dma_semaphore, #tpu.memory_space<semaphore_mem>>) src(%arg18 : memref<5000xf32, #tpu.memory_space<vmem>>) dst(%dma_wait3A_102 : memref<50176xf32, #tpu.memory_space<vmem_shared>>)
    %dma_wait3A_103 = arith.constant 0 : i32
    %dma_wait3A_104 = tpu.memref_slice %arg22[%dma_wait3A_103] : memref<50176xf32, #tpu.memory_space<vmem_shared>> -> memref<50176xf32, #tpu.memory_space<vmem_shared>>
    tpu.wait_indirect_dma semaphore(%arg26 : memref<!tpu.dma_semaphore, #tpu.memory_space<semaphore_mem>>) src(%arg19 : memref<5000xf32, #tpu.memory_space<vmem>>) dst(%dma_wait3A_104 : memref<50176xf32, #tpu.memory_space<vmem_shared>>)
    %dma_wait3A_105 = arith.constant 0 : i32
    %dma_wait3A_106 = tpu.memref_slice %arg22[%dma_wait3A_105] : memref<50176xf32, #tpu.memory_space<vmem_shared>> -> memref<50176xf32, #tpu.memory_space<vmem_shared>>
    tpu.wait_indirect_dma semaphore(%arg26 : memref<!tpu.dma_semaphore, #tpu.memory_space<semaphore_mem>>) src(%arg20 : memref<5000xf32, #tpu.memory_space<vmem>>) dst(%dma_wait3A_106 : memref<50176xf32, #tpu.memory_space<vmem_shared>>)
    %barrier3A_107 = arith.constant 0 : index
    tpu.barrier barrier_id(%barrier3A_107)
    "tpu.region"() ({
      %run_scoped3A = tpu.sem_alloc : memref<!tpu.dma_semaphore, #tpu.memory_space<semaphore_mem>>
      %dma_start3A_113 = tpu.memref_slice %arg22[%mul3A_0] : memref<50176xf32, #tpu.memory_space<vmem_shared>> -> memref<3136xf32, #tpu.memory_space<vmem_shared>>
      %dma_start3A_114 = tpu.memref_slice %arg22[%mul3A_0] : memref<50176xf32, #tpu.memory_space<vmem_shared>> -> memref<3136xf32, #tpu.memory_space<vmem_shared>>
      tpu.enqueue_dma source(%dma_start3A_114 : memref<3136xf32, #tpu.memory_space<vmem_shared>>) target(%arg21 : memref<3136xf32, #tpu.memory_space<vmem>>) target_semaphore(%run_scoped3A : memref<!tpu.dma_semaphore, #tpu.memory_space<semaphore_mem>>)
      %dma_wait3A_115 = tpu.memref_slice %arg22[%mul3A_0] : memref<50176xf32, #tpu.memory_space<vmem_shared>> -> memref<3136xf32, #tpu.memory_space<vmem_shared>>
      %dma_wait3A_116 = tpu.memref_slice %arg22[%mul3A_0] : memref<50176xf32, #tpu.memory_space<vmem_shared>> -> memref<3136xf32, #tpu.memory_space<vmem_shared>>
      tpu.wait_dma2 semaphore(%run_scoped3A : memref<!tpu.dma_semaphore, #tpu.memory_space<semaphore_mem>>) src(%dma_wait3A_116 : memref<3136xf32, #tpu.memory_space<vmem_shared>>) dst(%arg21 : memref<3136xf32, #tpu.memory_space<vmem>>)
      tpu.yield
    }) : () -> ()
    %mul3A_108 = arith.constant 50176 : i32
    %mul3A_109 = arith.muli %arg0, %mul3A_108 : i32
    %mul3A_110 = arith.constant 3136 : i32
    %mul3A_111 = arith.muli %arg1, %mul3A_110 : i32
    %add3A_112 = arith.addi %mul3A_109, %mul3A_111 : i32
    "tpu.region"() ({
      %run_scoped3A = tpu.sem_alloc : memref<!tpu.dma_semaphore, #tpu.memory_space<semaphore_mem>>
      %dma_start3A_113 = tpu.memref_slice %arg5[%add3A_112] : memref<100352xf32, #tpu.memory_space<hbm>> -> memref<3136xf32, #tpu.memory_space<hbm>>
      %dma_start3A_114 = tpu.memref_slice %arg5[%add3A_112] : memref<100352xf32, #tpu.memory_space<hbm>> -> memref<3136xf32, #tpu.memory_space<hbm>>
      tpu.enqueue_dma source(%arg21 : memref<3136xf32, #tpu.memory_space<vmem>>) target(%dma_start3A_114 : memref<3136xf32, #tpu.memory_space<hbm>>) target_semaphore(%run_scoped3A : memref<!tpu.dma_semaphore, #tpu.memory_space<semaphore_mem>>)
      %dma_wait3A_115 = tpu.memref_slice %arg5[%add3A_112] : memref<100352xf32, #tpu.memory_space<hbm>> -> memref<3136xf32, #tpu.memory_space<hbm>>
      %dma_wait3A_116 = tpu.memref_slice %arg5[%add3A_112] : memref<100352xf32, #tpu.memory_space<hbm>> -> memref<3136xf32, #tpu.memory_space<hbm>>
      tpu.wait_dma2 semaphore(%run_scoped3A : memref<!tpu.dma_semaphore, #tpu.memory_space<semaphore_mem>>) src(%arg21 : memref<3136xf32, #tpu.memory_space<vmem>>) dst(%dma_wait3A_116 : memref<3136xf32, #tpu.memory_space<hbm>>)
      tpu.yield
    }) : () -> ()
    return
  }
}

module attributes {stable_mosaic.version = 14 : i64} {
  func.func @_tc_prep_body(%arg0: memref<50176xf32, #tpu.memory_space<vmem>>, %arg1: memref<50176xf32, #tpu.memory_space<vmem>>, %arg2: memref<50176xf32, #tpu.memory_space<vmem>>, %arg3: memref<50176xf32, #tpu.memory_space<vmem>>, %arg4: memref<50176xf32, #tpu.memory_space<vmem>>) attributes {dimension_semantics = [], scalar_prefetch = 0 : i64, scratch_operands = 0 : i64, tpu.core_type = #tpu.core_type<tc>} {
    %get3A = arith.constant 0 : index
    %get3A_0 = vector.load %arg0[%get3A] : memref<50176xf32, #tpu.memory_space<vmem>>, vector<50176xf32>
    %get3A_1 = arith.constant 0 : index
    %get3A_2 = vector.load %arg1[%get3A_1] : memref<50176xf32, #tpu.memory_space<vmem>>, vector<50176xf32>
    %add3A = arith.addf %get3A_0, %get3A_2 : vector<50176xf32>
    %add3A_3 = arith.constant 1.000000e+00 : f32
    %add3A_4 = vector.broadcast %add3A_3 : f32 to vector<50176xf32>
    %add3A_5 = arith.addf %add3A, %add3A_4 : vector<50176xf32>
    %rsqrt3A = math.rsqrt %add3A_5 : vector<50176xf32>
    %swap3A = arith.constant 0 : index
    %swap3A_6 = vector.load %arg3[%swap3A] : memref<50176xf32, #tpu.memory_space<vmem>>, vector<50176xf32>
    tpu.vector_store %arg3[%swap3A], %rsqrt3A {strides = array<i32>} : memref<50176xf32, #tpu.memory_space<vmem>>, vector<50176xf32>,
    %get3A_7 = arith.constant 0 : index
    %get3A_8 = vector.load %arg2[%get3A_7] : memref<50176xf32, #tpu.memory_space<vmem>>, vector<50176xf32>
    %mul3A = arith.mulf %rsqrt3A, %get3A_8 : vector<50176xf32>
    %swap3A_9 = arith.constant 0 : index
    %swap3A_10 = vector.load %arg4[%swap3A_9] : memref<50176xf32, #tpu.memory_space<vmem>>, vector<50176xf32>
    tpu.vector_store %arg4[%swap3A_9], %mul3A {strides = array<i32>} : memref<50176xf32, #tpu.memory_space<vmem>>, vector<50176xf32>,
    return
  }
}

module attributes {stable_mosaic.version = 14 : i64} {
  func.func @_tc_mid_a_body(%arg0: memref<50176xf32, #tpu.memory_space<vmem>>, %arg1: memref<50176xf32, #tpu.memory_space<vmem>>, %arg2: memref<50176xf32, #tpu.memory_space<vmem>>, %arg3: memref<50176xf32, #tpu.memory_space<vmem>>, %arg4: memref<50176xf32, #tpu.memory_space<vmem>>) attributes {dimension_semantics = [], scalar_prefetch = 0 : i64, scratch_operands = 0 : i64, tpu.core_type = #tpu.core_type<tc>} {
    %get3A = arith.constant 0 : index
    %get3A_0 = vector.load %arg3[%get3A] : memref<50176xf32, #tpu.memory_space<vmem>>, vector<50176xf32>
    %get3A_1 = arith.constant 0 : index
    %get3A_2 = vector.load %arg0[%get3A_1] : memref<50176xf32, #tpu.memory_space<vmem>>, vector<50176xf32>
    %get3A_3 = arith.constant 0 : index
    %get3A_4 = vector.load %arg1[%get3A_3] : memref<50176xf32, #tpu.memory_space<vmem>>, vector<50176xf32>
    %add3A = arith.addf %get3A_2, %get3A_4 : vector<50176xf32>
    %get3A_5 = arith.constant 0 : index
    %get3A_6 = vector.load %arg2[%get3A_5] : memref<50176xf32, #tpu.memory_space<vmem>>, vector<50176xf32>
    %add3A_7 = arith.addf %add3A, %get3A_6 : vector<50176xf32>
    %mul3A = arith.mulf %get3A_0, %add3A_7 : vector<50176xf32>
    %swap3A = arith.constant 0 : index
    %swap3A_8 = vector.load %arg4[%swap3A] : memref<50176xf32, #tpu.memory_space<vmem>>, vector<50176xf32>
    tpu.vector_store %arg4[%swap3A], %mul3A {strides = array<i32>} : memref<50176xf32, #tpu.memory_space<vmem>>, vector<50176xf32>,
    return
  }
}

module attributes {stable_mosaic.version = 14 : i64} {
  func.func @_tc_mm_body(%arg0: memref<6272x8xf32, #tpu.memory_space<vmem>>, %arg1: memref<1x64xf32, #tpu.memory_space<vmem>>, %arg2: memref<1x64xf32, #tpu.memory_space<vmem>>, %arg3: memref<64x1xf32, #tpu.memory_space<vmem>>, %arg4: memref<6272x8xf32, #tpu.memory_space<vmem>>) attributes {dimension_semantics = [], scalar_prefetch = 0 : i64, scratch_operands = 0 : i64, tpu.core_type = #tpu.core_type<tc>} {
    %get3A = arith.constant 0 : index
    %get3A_0 = arith.constant 0 : index
    %get3A_1 = vector.load %arg0[%get3A, %get3A_0] : memref<6272x8xf32, #tpu.memory_space<vmem>>, vector<6272x1xf32>
    %get3A_2 = arith.constant 0 : index
    %get3A_3 = arith.constant 0 : index
    %get3A_4 = vector.load %arg1[%get3A_2, %get3A_3] : memref<1x64xf32, #tpu.memory_space<vmem>>, vector<1x64xf32>
    %mul3A = vector.broadcast %get3A_1 : vector<6272x1xf32> to vector<6272x64xf32>
    %mul3A_5 = vector.broadcast %get3A_4 : vector<1x64xf32> to vector<6272x64xf32>
    %mul3A_6 = arith.mulf %mul3A, %mul3A_5 : vector<6272x64xf32>
    %get3A_7 = arith.constant 0 : index
    %get3A_8 = arith.constant 0 : index
    %get3A_9 = vector.load %arg2[%get3A_7, %get3A_8] : memref<1x64xf32, #tpu.memory_space<vmem>>, vector<1x64xf32>
    %add3A = vector.broadcast %get3A_9 : vector<1x64xf32> to vector<6272x64xf32>
    %add3A_10 = arith.addf %mul3A_6, %add3A : vector<6272x64xf32>
    %get3A_11 = arith.constant 0 : index
    %get3A_12 = arith.constant 0 : index
    %get3A_13 = vector.load %arg3[%get3A_11, %get3A_12] : memref<64x1xf32, #tpu.memory_space<vmem>>, vector<64x1xf32>
    %dot_general3A = arith.constant dense<0.000000e+00> : vector<6272x1xf32>
    %dot_general3A_14 = tpu.matmul %add3A_10, %get3A_13, %dot_general3A {dimension_numbers = #tpu.dot_dimension_numbers<[1], [0], [0], [1], [0, 0, 1, 1], [], []>, transpose_lhs_hint = false} : vector<6272x64xf32>, vector<64x1xf32>, vector<6272x1xf32> -> vector<6272x1xf32>
    %swap3A = arith.constant 0 : index
    %swap3A_15 = arith.constant 0 : index
    %swap3A_16 = vector.load %arg4[%swap3A, %swap3A_15] : memref<6272x8xf32, #tpu.memory_space<vmem>>, vector<6272x1xf32>
    tpu.vector_store %arg4[%swap3A, %swap3A_15], %dot_general3A_14 {strides = array<i32>} : memref<6272x8xf32, #tpu.memory_space<vmem>>, vector<6272x1xf32>,
    %get3A_17 = arith.constant 0 : index
    %get3A_18 = arith.constant 1 : index
    %get3A_19 = vector.load %arg0[%get3A_17, %get3A_18] : memref<6272x8xf32, #tpu.memory_space<vmem>>, vector<6272x1xf32>
    %get3A_20 = arith.constant 0 : index
    %get3A_21 = arith.constant 0 : index
    %get3A_22 = vector.load %arg1[%get3A_20, %get3A_21] : memref<1x64xf32, #tpu.memory_space<vmem>>, vector<1x64xf32>
    %mul3A_23 = vector.broadcast %get3A_19 : vector<6272x1xf32> to vector<6272x64xf32>
    %mul3A_24 = vector.broadcast %get3A_22 : vector<1x64xf32> to vector<6272x64xf32>
    %mul3A_25 = arith.mulf %mul3A_23, %mul3A_24 : vector<6272x64xf32>
    %get3A_26 = arith.constant 0 : index
    %get3A_27 = arith.constant 0 : index
    %get3A_28 = vector.load %arg2[%get3A_26, %get3A_27] : memref<1x64xf32, #tpu.memory_space<vmem>>, vector<1x64xf32>
    %add3A_29 = vector.broadcast %get3A_28 : vector<1x64xf32> to vector<6272x64xf32>
    %add3A_30 = arith.addf %mul3A_25, %add3A_29 : vector<6272x64xf32>
    %get3A_31 = arith.constant 0 : index
    %get3A_32 = arith.constant 0 : index
    %get3A_33 = vector.load %arg3[%get3A_31, %get3A_32] : memref<64x1xf32, #tpu.memory_space<vmem>>, vector<64x1xf32>
    %dot_general3A_34 = arith.constant dense<0.000000e+00> : vector<6272x1xf32>
    %dot_general3A_35 = tpu.matmul %add3A_30, %get3A_33, %dot_general3A_34 {dimension_numbers = #tpu.dot_dimension_numbers<[1], [0], [0], [1], [0, 0, 1, 1], [], []>, transpose_lhs_hint = false} : vector<6272x64xf32>, vector<64x1xf32>, vector<6272x1xf32> -> vector<6272x1xf32>
    %swap3A_36 = arith.constant 0 : index
    %swap3A_37 = arith.constant 1 : index
    %swap3A_38 = vector.load %arg4[%swap3A_36, %swap3A_37] : memref<6272x8xf32, #tpu.memory_space<vmem>>, vector<6272x1xf32>
    tpu.vector_store %arg4[%swap3A_36, %swap3A_37], %dot_general3A_35 {strides = array<i32>} : memref<6272x8xf32, #tpu.memory_space<vmem>>, vector<6272x1xf32>,
    %get3A_39 = arith.constant 0 : index
    %get3A_40 = arith.constant 2 : index
    %get3A_41 = vector.load %arg0[%get3A_39, %get3A_40] : memref<6272x8xf32, #tpu.memory_space<vmem>>, vector<6272x1xf32>
    %get3A_42 = arith.constant 0 : index
    %get3A_43 = arith.constant 0 : index
    %get3A_44 = vector.load %arg1[%get3A_42, %get3A_43] : memref<1x64xf32, #tpu.memory_space<vmem>>, vector<1x64xf32>
    %mul3A_45 = vector.broadcast %get3A_41 : vector<6272x1xf32> to vector<6272x64xf32>
    %mul3A_46 = vector.broadcast %get3A_44 : vector<1x64xf32> to vector<6272x64xf32>
    %mul3A_47 = arith.mulf %mul3A_45, %mul3A_46 : vector<6272x64xf32>
    %get3A_48 = arith.constant 0 : index
    %get3A_49 = arith.constant 0 : index
    %get3A_50 = vector.load %arg2[%get3A_48, %get3A_49] : memref<1x64xf32, #tpu.memory_space<vmem>>, vector<1x64xf32>
    %add3A_51 = vector.broadcast %get3A_50 : vector<1x64xf32> to vector<6272x64xf32>
    %add3A_52 = arith.addf %mul3A_47, %add3A_51 : vector<6272x64xf32>
    %get3A_53 = arith.constant 0 : index
    %get3A_54 = arith.constant 0 : index
    %get3A_55 = vector.load %arg3[%get3A_53, %get3A_54] : memref<64x1xf32, #tpu.memory_space<vmem>>, vector<64x1xf32>
    %dot_general3A_56 = arith.constant dense<0.000000e+00> : vector<6272x1xf32>
    %dot_general3A_57 = tpu.matmul %add3A_52, %get3A_55, %dot_general3A_56 {dimension_numbers = #tpu.dot_dimension_numbers<[1], [0], [0], [1], [0, 0, 1, 1], [], []>, transpose_lhs_hint = false} : vector<6272x64xf32>, vector<64x1xf32>, vector<6272x1xf32> -> vector<6272x1xf32>
    %swap3A_58 = arith.constant 0 : index
    %swap3A_59 = arith.constant 2 : index
    %swap3A_60 = vector.load %arg4[%swap3A_58, %swap3A_59] : memref<6272x8xf32, #tpu.memory_space<vmem>>, vector<6272x1xf32>
    tpu.vector_store %arg4[%swap3A_58, %swap3A_59], %dot_general3A_57 {strides = array<i32>} : memref<6272x8xf32, #tpu.memory_space<vmem>>, vector<6272x1xf32>,
    %get3A_61 = arith.constant 0 : index
    %get3A_62 = arith.constant 3 : index
    %get3A_63 = vector.load %arg0[%get3A_61, %get3A_62] : memref<6272x8xf32, #tpu.memory_space<vmem>>, vector<6272x1xf32>
    %get3A_64 = arith.constant 0 : index
    %get3A_65 = arith.constant 0 : index
    %get3A_66 = vector.load %arg1[%get3A_64, %get3A_65] : memref<1x64xf32, #tpu.memory_space<vmem>>, vector<1x64xf32>
    %mul3A_67 = vector.broadcast %get3A_63 : vector<6272x1xf32> to vector<6272x64xf32>
    %mul3A_68 = vector.broadcast %get3A_66 : vector<1x64xf32> to vector<6272x64xf32>
    %mul3A_69 = arith.mulf %mul3A_67, %mul3A_68 : vector<6272x64xf32>
    %get3A_70 = arith.constant 0 : index
    %get3A_71 = arith.constant 0 : index
    %get3A_72 = vector.load %arg2[%get3A_70, %get3A_71] : memref<1x64xf32, #tpu.memory_space<vmem>>, vector<1x64xf32>
    %add3A_73 = vector.broadcast %get3A_72 : vector<1x64xf32> to vector<6272x64xf32>
    %add3A_74 = arith.addf %mul3A_69, %add3A_73 : vector<6272x64xf32>
    %get3A_75 = arith.constant 0 : index
    %get3A_76 = arith.constant 0 : index
    %get3A_77 = vector.load %arg3[%get3A_75, %get3A_76] : memref<64x1xf32, #tpu.memory_space<vmem>>, vector<64x1xf32>
    %dot_general3A_78 = arith.constant dense<0.000000e+00> : vector<6272x1xf32>
    %dot_general3A_79 = tpu.matmul %add3A_74, %get3A_77, %dot_general3A_78 {dimension_numbers = #tpu.dot_dimension_numbers<[1], [0], [0], [1], [0, 0, 1, 1], [], []>, transpose_lhs_hint = false} : vector<6272x64xf32>, vector<64x1xf32>, vector<6272x1xf32> -> vector<6272x1xf32>
    %swap3A_80 = arith.constant 0 : index
    %swap3A_81 = arith.constant 3 : index
    %swap3A_82 = vector.load %arg4[%swap3A_80, %swap3A_81] : memref<6272x8xf32, #tpu.memory_space<vmem>>, vector<6272x1xf32>
    tpu.vector_store %arg4[%swap3A_80, %swap3A_81], %dot_general3A_79 {strides = array<i32>} : memref<6272x8xf32, #tpu.memory_space<vmem>>, vector<6272x1xf32>,
    %get3A_83 = arith.constant 0 : index
    %get3A_84 = arith.constant 4 : index
    %get3A_85 = vector.load %arg0[%get3A_83, %get3A_84] : memref<6272x8xf32, #tpu.memory_space<vmem>>, vector<6272x1xf32>
    %get3A_86 = arith.constant 0 : index
    %get3A_87 = arith.constant 0 : index
    %get3A_88 = vector.load %arg1[%get3A_86, %get3A_87] : memref<1x64xf32, #tpu.memory_space<vmem>>, vector<1x64xf32>
    %mul3A_89 = vector.broadcast %get3A_85 : vector<6272x1xf32> to vector<6272x64xf32>
    %mul3A_90 = vector.broadcast %get3A_88 : vector<1x64xf32> to vector<6272x64xf32>
    %mul3A_91 = arith.mulf %mul3A_89, %mul3A_90 : vector<6272x64xf32>
    %get3A_92 = arith.constant 0 : index
    %get3A_93 = arith.constant 0 : index
    %get3A_94 = vector.load %arg2[%get3A_92, %get3A_93] : memref<1x64xf32, #tpu.memory_space<vmem>>, vector<1x64xf32>
    %add3A_95 = vector.broadcast %get3A_94 : vector<1x64xf32> to vector<6272x64xf32>
    %add3A_96 = arith.addf %mul3A_91, %add3A_95 : vector<6272x64xf32>
    %get3A_97 = arith.constant 0 : index
    %get3A_98 = arith.constant 0 : index
    %get3A_99 = vector.load %arg3[%get3A_97, %get3A_98] : memref<64x1xf32, #tpu.memory_space<vmem>>, vector<64x1xf32>
    %dot_general3A_100 = arith.constant dense<0.000000e+00> : vector<6272x1xf32>
    %dot_general3A_101 = tpu.matmul %add3A_96, %get3A_99, %dot_general3A_100 {dimension_numbers = #tpu.dot_dimension_numbers<[1], [0], [0], [1], [0, 0, 1, 1], [], []>, transpose_lhs_hint = false} : vector<6272x64xf32>, vector<64x1xf32>, vector<6272x1xf32> -> vector<6272x1xf32>
    %swap3A_102 = arith.constant 0 : index
    %swap3A_103 = arith.constant 4 : index
    %swap3A_104 = vector.load %arg4[%swap3A_102, %swap3A_103] : memref<6272x8xf32, #tpu.memory_space<vmem>>, vector<6272x1xf32>
    tpu.vector_store %arg4[%swap3A_102, %swap3A_103], %dot_general3A_101 {strides = array<i32>} : memref<6272x8xf32, #tpu.memory_space<vmem>>, vector<6272x1xf32>,
    %get3A_105 = arith.constant 0 : index
    %get3A_106 = arith.constant 5 : index
    %get3A_107 = vector.load %arg0[%get3A_105, %get3A_106] : memref<6272x8xf32, #tpu.memory_space<vmem>>, vector<6272x1xf32>
    %get3A_108 = arith.constant 0 : index
    %get3A_109 = arith.constant 0 : index
    %get3A_110 = vector.load %arg1[%get3A_108, %get3A_109] : memref<1x64xf32, #tpu.memory_space<vmem>>, vector<1x64xf32>
    %mul3A_111 = vector.broadcast %get3A_107 : vector<6272x1xf32> to vector<6272x64xf32>
    %mul3A_112 = vector.broadcast %get3A_110 : vector<1x64xf32> to vector<6272x64xf32>
    %mul3A_113 = arith.mulf %mul3A_111, %mul3A_112 : vector<6272x64xf32>
    %get3A_114 = arith.constant 0 : index
    %get3A_115 = arith.constant 0 : index
    %get3A_116 = vector.load %arg2[%get3A_114, %get3A_115] : memref<1x64xf32, #tpu.memory_space<vmem>>, vector<1x64xf32>
    %add3A_117 = vector.broadcast %get3A_116 : vector<1x64xf32> to vector<6272x64xf32>
    %add3A_118 = arith.addf %mul3A_113, %add3A_117 : vector<6272x64xf32>
    %get3A_119 = arith.constant 0 : index
    %get3A_120 = arith.constant 0 : index
    %get3A_121 = vector.load %arg3[%get3A_119, %get3A_120] : memref<64x1xf32, #tpu.memory_space<vmem>>, vector<64x1xf32>
    %dot_general3A_122 = arith.constant dense<0.000000e+00> : vector<6272x1xf32>
    %dot_general3A_123 = tpu.matmul %add3A_118, %get3A_121, %dot_general3A_122 {dimension_numbers = #tpu.dot_dimension_numbers<[1], [0], [0], [1], [0, 0, 1, 1], [], []>, transpose_lhs_hint = false} : vector<6272x64xf32>, vector<64x1xf32>, vector<6272x1xf32> -> vector<6272x1xf32>
    %swap3A_124 = arith.constant 0 : index
    %swap3A_125 = arith.constant 5 : index
    %swap3A_126 = vector.load %arg4[%swap3A_124, %swap3A_125] : memref<6272x8xf32, #tpu.memory_space<vmem>>, vector<6272x1xf32>
    tpu.vector_store %arg4[%swap3A_124, %swap3A_125], %dot_general3A_123 {strides = array<i32>} : memref<6272x8xf32, #tpu.memory_space<vmem>>, vector<6272x1xf32>,
    %get3A_127 = arith.constant 0 : index
    %get3A_128 = arith.constant 6 : index
    %get3A_129 = vector.load %arg0[%get3A_127, %get3A_128] : memref<6272x8xf32, #tpu.memory_space<vmem>>, vector<6272x1xf32>
    %get3A_130 = arith.constant 0 : index
    %get3A_131 = arith.constant 0 : index
    %get3A_132 = vector.load %arg1[%get3A_130, %get3A_131] : memref<1x64xf32, #tpu.memory_space<vmem>>, vector<1x64xf32>
    %mul3A_133 = vector.broadcast %get3A_129 : vector<6272x1xf32> to vector<6272x64xf32>
    %mul3A_134 = vector.broadcast %get3A_132 : vector<1x64xf32> to vector<6272x64xf32>
    %mul3A_135 = arith.mulf %mul3A_133, %mul3A_134 : vector<6272x64xf32>
    %get3A_136 = arith.constant 0 : index
    %get3A_137 = arith.constant 0 : index
    %get3A_138 = vector.load %arg2[%get3A_136, %get3A_137] : memref<1x64xf32, #tpu.memory_space<vmem>>, vector<1x64xf32>
    %add3A_139 = vector.broadcast %get3A_138 : vector<1x64xf32> to vector<6272x64xf32>
    %add3A_140 = arith.addf %mul3A_135, %add3A_139 : vector<6272x64xf32>
    %get3A_141 = arith.constant 0 : index
    %get3A_142 = arith.constant 0 : index
    %get3A_143 = vector.load %arg3[%get3A_141, %get3A_142] : memref<64x1xf32, #tpu.memory_space<vmem>>, vector<64x1xf32>
    %dot_general3A_144 = arith.constant dense<0.000000e+00> : vector<6272x1xf32>
    %dot_general3A_145 = tpu.matmul %add3A_140, %get3A_143, %dot_general3A_144 {dimension_numbers = #tpu.dot_dimension_numbers<[1], [0], [0], [1], [0, 0, 1, 1], [], []>, transpose_lhs_hint = false} : vector<6272x64xf32>, vector<64x1xf32>, vector<6272x1xf32> -> vector<6272x1xf32>
    %swap3A_146 = arith.constant 0 : index
    %swap3A_147 = arith.constant 6 : index
    %swap3A_148 = vector.load %arg4[%swap3A_146, %swap3A_147] : memref<6272x8xf32, #tpu.memory_space<vmem>>, vector<6272x1xf32>
    tpu.vector_store %arg4[%swap3A_146, %swap3A_147], %dot_general3A_145 {strides = array<i32>} : memref<6272x8xf32, #tpu.memory_space<vmem>>, vector<6272x1xf32>,
    %get3A_149 = arith.constant 0 : index
    %get3A_150 = arith.constant 7 : index
    %get3A_151 = vector.load %arg0[%get3A_149, %get3A_150] : memref<6272x8xf32, #tpu.memory_space<vmem>>, vector<6272x1xf32>
    %get3A_152 = arith.constant 0 : index
    %get3A_153 = arith.constant 0 : index
    %get3A_154 = vector.load %arg1[%get3A_152, %get3A_153] : memref<1x64xf32, #tpu.memory_space<vmem>>, vector<1x64xf32>
    %mul3A_155 = vector.broadcast %get3A_151 : vector<6272x1xf32> to vector<6272x64xf32>
    %mul3A_156 = vector.broadcast %get3A_154 : vector<1x64xf32> to vector<6272x64xf32>
    %mul3A_157 = arith.mulf %mul3A_155, %mul3A_156 : vector<6272x64xf32>
    %get3A_158 = arith.constant 0 : index
    %get3A_159 = arith.constant 0 : index
    %get3A_160 = vector.load %arg2[%get3A_158, %get3A_159] : memref<1x64xf32, #tpu.memory_space<vmem>>, vector<1x64xf32>
    %add3A_161 = vector.broadcast %get3A_160 : vector<1x64xf32> to vector<6272x64xf32>
    %add3A_162 = arith.addf %mul3A_157, %add3A_161 : vector<6272x64xf32>
    %get3A_163 = arith.constant 0 : index
    %get3A_164 = arith.constant 0 : index
    %get3A_165 = vector.load %arg3[%get3A_163, %get3A_164] : memref<64x1xf32, #tpu.memory_space<vmem>>, vector<64x1xf32>
    %dot_general3A_166 = arith.constant dense<0.000000e+00> : vector<6272x1xf32>
    %dot_general3A_167 = tpu.matmul %add3A_162, %get3A_165, %dot_general3A_166 {dimension_numbers = #tpu.dot_dimension_numbers<[1], [0], [0], [1], [0, 0, 1, 1], [], []>, transpose_lhs_hint = false} : vector<6272x64xf32>, vector<64x1xf32>, vector<6272x1xf32> -> vector<6272x1xf32>
    %swap3A_168 = arith.constant 0 : index
    %swap3A_169 = arith.constant 7 : index
    %swap3A_170 = vector.load %arg4[%swap3A_168, %swap3A_169] : memref<6272x8xf32, #tpu.memory_space<vmem>>, vector<6272x1xf32>
    tpu.vector_store %arg4[%swap3A_168, %swap3A_169], %dot_general3A_167 {strides = array<i32>} : memref<6272x8xf32, #tpu.memory_space<vmem>>, vector<6272x1xf32>,
    return
  }
}

module attributes {stable_mosaic.version = 14 : i64} {
  func.func @_tc_mid_b_body(%arg0: memref<50176xf32, #tpu.memory_space<vmem>>, %arg1: memref<50176xf32, #tpu.memory_space<vmem>>, %arg2: memref<50176xf32, #tpu.memory_space<vmem>>) attributes {dimension_semantics = [], scalar_prefetch = 0 : i64, scratch_operands = 0 : i64, tpu.core_type = #tpu.core_type<tc>} {
    %get3A = arith.constant 0 : index
    %get3A_0 = vector.load %arg0[%get3A] : memref<50176xf32, #tpu.memory_space<vmem>>, vector<50176xf32>
    %get3A_1 = arith.constant 0 : index
    %get3A_2 = vector.load %arg1[%get3A_1] : memref<50176xf32, #tpu.memory_space<vmem>>, vector<50176xf32>
    %mul3A = arith.mulf %get3A_0, %get3A_2 : vector<50176xf32>
    %swap3A = arith.constant 0 : index
    %swap3A_3 = vector.load %arg2[%swap3A] : memref<50176xf32, #tpu.memory_space<vmem>>, vector<50176xf32>
    tpu.vector_store %arg2[%swap3A], %mul3A {strides = array<i32>} : memref<50176xf32, #tpu.memory_space<vmem>>, vector<50176xf32>,
    return
  }
}

module attributes {stable_mosaic.version = 14 : i64} {
  func.func @_tc_fin_body(%arg0: memref<50176xf32, #tpu.memory_space<vmem>>, %arg1: memref<50176xf32, #tpu.memory_space<vmem>>, %arg2: memref<50176xf32, #tpu.memory_space<vmem>>, %arg3: memref<50176xf32, #tpu.memory_space<vmem>>, %arg4: memref<1xf32, #tpu.memory_space<vmem>>, %arg5: memref<50176xf32, #tpu.memory_space<vmem>>) attributes {dimension_semantics = [], scalar_prefetch = 0 : i64, scratch_operands = 0 : i64, tpu.core_type = #tpu.core_type<tc>} {
    %get3A = arith.constant 0 : index
    %get3A_0 = vector.load %arg3[%get3A] : memref<50176xf32, #tpu.memory_space<vmem>>, vector<50176xf32>
    %get3A_1 = arith.constant 0 : index
    %get3A_2 = vector.load %arg0[%get3A_1] : memref<50176xf32, #tpu.memory_space<vmem>>, vector<50176xf32>
    %get3A_3 = arith.constant 0 : index
    %get3A_4 = vector.load %arg1[%get3A_3] : memref<50176xf32, #tpu.memory_space<vmem>>, vector<50176xf32>
    %add3A = arith.addf %get3A_2, %get3A_4 : vector<50176xf32>
    %get3A_5 = arith.constant 0 : index
    %get3A_6 = vector.load %arg2[%get3A_5] : memref<50176xf32, #tpu.memory_space<vmem>>, vector<50176xf32>
    %add3A_7 = arith.addf %add3A, %get3A_6 : vector<50176xf32>
    %mul3A = arith.mulf %get3A_0, %add3A_7 : vector<50176xf32>
    %get3A_8 = arith.constant 0 : index
    %get3A_9 = vector.load %arg4[%get3A_8] : memref<1xf32, #tpu.memory_space<vmem>>, vector<1xf32>
    %get3A_10 = vector.extract %get3A_9[0] : f32 from vector<1xf32>
    %add3A_11 = vector.broadcast %get3A_10 : f32 to vector<50176xf32>
    %add3A_12 = arith.addf %mul3A, %add3A_11 : vector<50176xf32>
    %swap3A = arith.constant 0 : index
    %swap3A_13 = vector.load %arg5[%swap3A] : memref<50176xf32, #tpu.memory_space<vmem>>, vector<50176xf32>
    tpu.vector_store %arg5[%swap3A], %add3A_12 {strides = array<i32>} : memref<50176xf32, #tpu.memory_space<vmem>>, vector<50176xf32>,
    return
  }
}

</mosaic_0001>

<sc_bundles>
// kernel: kernel.10.cloned.1.call-start
scs
__scs_entry_jumppad:
0x0: {  	(pc) =	sbr.rel $0x88, $3  }
0x1: {  	(tag) =	ssettag $0x0;
	lr =	simm.s32 $0x1  }
0x2: {  	[smem:$0x3F9B] =	sst lr;
	_ =	strace $0xD0000000  }
0x3: {  	_ = 	snop  }
0x4: {  	_ = 	snop  }
0x5: {  	_ = 	snop  }
0x6: {  	_ = 	snop  }
0x7: {  	_ = 	snop  }
__scs_overlays_trampoline_lowered:
0x8: {  	[smem:$0x3FAA] =	sst s0  }
0x9: {  	[smem:$0x3FAB] =	sst s1  }
0xa: {  	[smem:$0x3FAC] =	sst s2  }
0xb: {  	[smem:$0x3FAD] =	sst s3  }
0xc: {  	[smem:$0x3FAE] =	sst s4  }
0xd: {  	[smem:$0x3FAF] =	sst s5  }
0xe: {  	[smem:$0x3FB0] =	sst s6  }
0xf: {  	[smem:$0x3FB1] =	sst s7  }
0x10: {  	[smem:$0x3FB2] =	sst s8  }
0x11: {  	[smem:$0x3FB3] =	sst s9;
	s0 =	simm.s32 @!p0 $0x0  }
0x12: {  	s1 =	sld [smem:$0x3F99];
	s0 =	simm.s32 @p0 $0x1  }
0x13: {  	[smem:$0x3FB4] =	sst s0;
	s0 =	simm.s32 @!p1 $0x0  }
0x14: {  	s2 =	sld [smem:$0x3F98];
	s0 =	simm.s32 @p1 $0x1  }
0x15: {  	[smem:$0x3FB5] =	sst s0;
	s0 =	simm.s32 @!p2 $0x0  }
0x16: {  	s3 =	sld [smem:$0x3FDB];
	s0 =	simm.s32 @p2 $0x1  }
0x17: {  	s4 =	simm.s32 $0x1BF5;
	[smem:$0x3FB7] =	sst s0  }
0x18: {  	s0 =	sld [smem:$0x3F9A];
	_ =	swait.ge [sflag:s4], $0x0  }
0x19: {  	s7 =	sld [smem:$0x3F9B]  }
0x1a: {  	s8 =	sadd.s32 $0xFFFFE003, lr  }
0x1b: {  	s9 =	sadd.s32 $0xFFFFFEF7, lr;
	s5 =	simm.s32 $0xFFFFFFFF;
	p2 =	slt.u32 s8, $0xFFFFF086  }
0x1c: {  	p1 =	slt.u32 s9, $0xF7A;
	s5 =	simm.s32 @!p2 $0x0  }
0x1d: {  	s5 =	simm.s32 @p1 $0x1;
	p0 =	seq.s32 s7, s2  }
0x1e: {  	s7 =	smul.u32 @!p0 $0xF7A, s2;
	p2 =	seq.s32 @!p0 s5, $0x0  }
0x1f: {  	s9 =	smul.u32 $0xF7A, s1;
	s8 =	simm.s32 @!p0 $0x1BF5;
	p2 =	por !p2, p0  }
0x20: {  	[sflag:s8] =	ssyncset.s32 @!p0 $0xFFFFF086;
	s6 =	sadd.s32 @!p0 s3, s7;
	s7 =	simm.s32 @!p0 $0x108  }
0x21: {  	s3 =	sadd.s32 s3, s9;
	s6 =	sadd.s32 @!p0 $0x88, s6;
	s7 =	simm.s32 @p2 $0x1082  }
0x22: {  	[simem:s7], [sflag:s8] =	dma.local @!p0 [hbm:s6], $0xF7A  }
0x23: {  	s9 =	sor.u32 $0xD0000000, s2;
	s6 =	simm.s32 $0x108;
	_ =	swait.ge @!p0 [sflag:s8], $0x0  }
0x24: {  	s3 =	sadd.s32 $0x88, s3;
	s6 =	simm.s32 @!p1 $0x1082;
	[sflag:s4] =	ssyncset.s32 $0xFFFFF086  }
0x25: {  	[simem:s6], [sflag:s4] =	dma.local [hbm:s3], $0xF7A  }
0x26: {  	[smem:$0x3F9B] =	sst s1;
	(tag) =	ssettag s2;
	_ =	strace s9  }
0x27: {  	s1 =	sld [smem:$0x3FAB]  }
0x28: {  	s2 =	sld [smem:$0x3FAC]  }
0x29: {  	s4 =	sld [smem:$0x3FAE]  }
0x2a: {  	p0 =	seq.s32 s5, $0x0;
	s5 =	sld [smem:$0x3FAF]  }
0x2b: {  	s6 =	sld [smem:$0x3FB0]  }
0x2c: {  	s7 =	sld [smem:$0x3FB1]  }
0x2d: {  	s3 =	simm.s32 $0x108;
	s8 =	sld [smem:$0x3FB2]  }
0x2e: {  	s3 =	simm.s32 @!p0 $0x1082;
	s9 =	sld [smem:$0x3FB3]  }
0x2f: {  	lr =	sadd.s32 s0, s3;
	s0 =	sld [smem:$0x3FAA]  }
0x30: {  	s3 =	sld [smem:$0x3FAD]  }
0x31: {  	[smem:$0x3FB6] =	sst s10  }
0x32: {  	s10 =	sld [smem:$0x3FB4];
	_ =	sdelay $0x3  }
0x33: {  	p0 =	seq.s32 s10, $0x1;
	s10 =	sld [smem:$0x3FB6];
	_ =	sdelay $0x3  }
0x34: {  	[smem:$0x3FB6] =	sst s10  }
0x35: {  	s10 =	sld [smem:$0x3FB5];
	_ =	sdelay $0x3  }
0x36: {  	p1 =	seq.s32 s10, $0x1;
	s10 =	sld [smem:$0x3FB6];
	_ =	sdelay $0x3  }
0x37: {  	[smem:$0x3FB6] =	sst s10  }
0x38: {  	s10 =	sld [smem:$0x3FB7]  }
0x39: {  	_ = 	snop;
	(pc) =	sbr.ind lr, $3  }
0x3a: {  	_ = 	snop  }
0x3b: {  	_ = 	snop  }
0x3c: {  	p2 =	seq.s32 s10, $0x1;
	s10 =	sld [smem:$0x3FB6]  }
0x3d: {  	_ =	shalt  }
0x3e: {  	_ =	shalt  }
0x3f: {  	_ =	shalt  }
0x40: {  	_ =	shalt  }
0x41: {  	_ =	shalt  }
0x42: {  	_ =	shalt  }
0x43: {  	_ =	shalt  }
0x44: {  	_ =	shalt  }
0x45: {  	_ =	shalt  }
0x46: {  	_ =	shalt  }
0x47: {  	_ =	shalt  }
0x48: {  	_ =	shalt  }
0x49: {  	_ =	shalt  }
0x4a: {  	_ =	shalt  }
0x4b: {  	_ =	shalt  }
0x4c: {  	_ =	shalt  }
0x4d: {  	_ =	shalt  }
0x4e: {  	_ =	shalt  }
0x4f: {  	_ =	shalt  }
0x50: {  	_ =	shalt  }
0x51: {  	_ =	shalt  }
0x52: {  	_ =	shalt  }
0x53: {  	_ =	shalt  }
0x54: {  	_ =	shalt  }
0x55: {  	_ =	shalt  }
0x56: {  	_ =	shalt  }
0x57: {  	_ =	shalt  }
0x58: {  	_ =	shalt  }
0x59: {  	_ =	shalt  }
0x5a: {  	_ =	shalt  }
0x5b: {  	_ =	shalt  }
0x5c: {  	_ =	shalt  }
0x5d: {  	_ =	shalt  }
0x5e: {  	_ =	shalt  }
0x5f: {  	_ =	shalt  }
0x60: {  	_ =	shalt  }
0x61: {  	_ =	shalt  }
0x62: {  	_ =	shalt  }
0x63: {  	_ =	shalt  }
0x64: {  	_ =	shalt  }
0x65: {  	_ =	shalt  }
0x66: {  	_ =	shalt  }
0x67: {  	_ =	shalt  }
0x68: {  	_ =	shalt  }
0x69: {  	_ =	shalt  }
0x6a: {  	_ =	shalt  }
0x6b: {  	_ =	shalt  }
0x6c: {  	_ =	shalt  }
0x6d: {  	_ =	shalt  }
0x6e: {  	_ =	shalt  }
0x6f: {  	_ =	shalt  }
0x70: {  	_ =	shalt  }
0x71: {  	_ =	shalt  }
0x72: {  	_ =	shalt  }
0x73: {  	_ =	shalt  }
0x74: {  	_ =	shalt  }
0x75: {  	_ =	shalt  }
0x76: {  	_ =	shalt  }
0x77: {  	_ =	shalt  }
0x78: {  	_ =	shalt  }
0x79: {  	_ =	shalt  }
0x7a: {  	_ =	shalt  }
0x7b: {  	_ =	shalt  }
0x7c: {  	_ =	shalt  }
0x7d: {  	_ =	shalt  }
0x7e: {  	_ =	shalt  }
0x7f: {  	_ =	shalt  }
0x80: {  	_ =	shalt  }
0x81: {  	_ =	shalt  }
0x82: {  	_ =	shalt  }
0x83: {  	_ =	shalt  }
0x84: {  	_ =	shalt  }
0x85: {  	_ =	shalt  }
0x86: {  	_ =	shalt  }
0x87: {  	_ =	shalt  }
.Lfunc_end0:
.L_simem_size_0:
called_computation_lowered:
.L_overlay_start_0:
0x88: {  	s2 =	sld [smem:$0x3FD9]  }
0x89: {  	s3 =	sld [smem:$0x3FFE];
	_ =	sdelay $0x1  }
0x8a: {  	s1 =	srdreg.scid  }
0x8b: {  	s0 =	sand.u32 $0x1, s1  }
0x8c: {  	s16 =	sshll.u32 s0, $0xA;
	s2 =	sadd.s32 s3, s2  }
0x8d: {  	s2 =	sadd.s32 s2, s16  }
0x8e: {  	[smem:$0x3FC2] =	sst s2  }
0x8f: {  	_ = 	snop  }
0x90: {  	(tm) =	ssettm $0x1  }
0x91: {  	s17 =	sld [smem:$0x3FFB];
	_ =	sdelay $0x3  }
0x92: {  	_ =	strace s17  }
0x93: {  	s2 =	sld [smem:$0x3FFC];
	_ =	sdelay $0x3  }
0x94: {  	_ =	strace s2  }
0x95: {  	s2 =	sld [smem:$0x3FFD];
	_ =	sdelay $0x3  }
0x96: {  	_ =	strace s2  }
0x97: {  	_ =	strace $0x8FFFFFFF  }
0x98: {  	s18 =	sld [smem:$0x3FDB];
	_ =	sdelay $0x1  }
0x99: {  	s19 =	simm.s32 $_scs_section_size  }
0x9a: {  	s4 =	simm.s32 $_size__tile_overlayer_lowered;
	s5 =	simm.s32 $_tile_overlayer_lowered  }
0x9b: {  	s22 =	simm.s32 $0x1BFF;
	s21 =	sshll.u32 s5, $0x1;
	s2 =	sadd.s32 s19, s18  }
0x9c: {  	s6 =	simm.s32 $0x0;
	s20 =	sshll.u32 s4, $0x1;
	s4 =	sadd.s32 s21, s2  }
0x9d: {  	[timem:s6], [sflag:s22] =	dma.local [hbm:s4], s20  }
0x9e: {  	_ =	swait.ge [sflag:s22], s20  }
0x9f: {  	s3 =	ssub.s32 $0x0, s20;
	[sflag:s22] =	ssyncset.done $0x0  }
0xa0: {  	[sflag:s22] =	ssyncadd.s32 s3;
	_ =	sdelay $0x1  }
0xa1: {  	s23 =	simm.s32 $0x1B8B  }
0xa2: {  	_ =	swait.ge [sflag:s23], $0x1  }
0xa3: {  	[sflag:s23] =	ssyncset.done $0x0  }
0xa4: {  	s25 =	simm.s32 $0x1B8E;
	s24 =	sld [smem:$0x3FFE];
	[sflag:s23] =	ssyncadd.s32 $0xFFFFFFFF  }
0xa5: {  	s26 =	simm.s32 $execute0_lowered;
	[smem:$0x3FD2] =	sst s25  }
0xa6: {  	s4 =	sshll.u32 s26, $0x1;
	_ =	strace $0x80000046;
	[dreg:$0x1] =	wrdreg $0xFFFFFFFF  }
0xa7: {  	s28 =	simm.s32 $_size_execute0_lowered;
	s2 =	sadd.s32 s2, s4;
	[dreg:$0x0] =	wrdreg $0x0  }
0xa8: {  	s4 =	sshll.u32 s28, $0x1;
	[dreg:$0x2] =	wrdreg s2  }
0xa9: {  	[dreg:$0x3] =	wrdreg s4  }
0xaa: {  	[dreg:$0x4] =	wrdreg $0xC0  }
0xab: {  	_ =	task [dreg:s6], $0x5FFFF  }
0xac: {  	[dreg:$0x1] =	wrdreg $0xFFFFFFFF  }
0xad: {  	[dreg:$0x0] =	wrdreg $0x60  }
0xae: {  	[dreg:$0x2] =	wrdreg s24  }
0xaf: {  	[dreg:$0x3] =	wrdreg $0x84800  }
0xb0: {  	[dreg:$0x4] =	wrdreg $0x9  }
0xb1: {  	_ =	task.clear_ibuf [dreg:s6], $0x5FFFF;
	_ =	strace $0x90000046  }
0xb2: {  	s29 =	simm.s32 $0x9;
	_ =	strace $0x80000048  }
0xb3: {  	_ =	swait.ge [sflag:s29], $0x1  }
0xb4: {  	[sflag:s29] =	ssyncadd.s32 $0xFFFFFFFF  }
0xb5: {  	_ =	strace $0x90000048  }
0xb6: {  	_ =	sfence  }
0xb7: {  	s30 =	sld [smem:$0x0];
	_ =	sdelay $0x2  }
0xb8: {  	s31 =	sshll.u32 s1, $0xD;
	s1 =	sshrl.u32 s1, $0x2  }
0xb9: {  	s3 =	sand.u32 $0x4000, s31;
	s1 =	sadd.s32 s1, s30  }
0xba: {  	s0 =	sor.u32 s3, s0;
	s1 =	sshll.u32 s1, $0x11  }
0xbb: {  	s0 =	sor.u32 s1, s0  }
0xbc: {  	s0 =	sadd.s32 $0x8F2B, s0  }
0xbd: {  	[sflag:s0] =	ssyncadd.remote.s32 $0x1  }
0xbe: {  	_ =	sfence.sel $0xFFFF  }
0xbf: {  	[dreg:$0x0] =	wrdreg $0xFFFFFFFF;
	(pc) =	sbr.abs _section_cstart, $3  }
0xc0: {  	[dreg:$0x1] =	wrdreg $0xFFFFFFFF  }
0xc1: {  	_ =	task.clear_ibuf [dreg:s6], $0x2FFFF;
	_ =	strace $0x9FFFFFFF  }
0xc2: {  	(tm) =	ssettm $0x7FFFFFFF  }
0xc3: {  	_ =	shalt  }
tec
execute0_lowered:
.L_overlay_start_1:
0x0: {  	(tag) =	ssettag $0x1  }
0x1: {  	s4 =	rddreg [dreg:$0x0]  }
0x2: {  	s2 =	rddreg [dreg:$0x1]  }
0x3: {  	s0 =	rddreg [dreg:$0x2]  }
0x4: {  	s5 =	srdreg.scid;
	s1 =	stileid.u32;
	s3 =	simm.s32 $0x0  }
0x5: {  	s13 =	simm.s32 $0x2800;
	s14 =	simm.s32 $0x3C00;
	s15 =	simm.s32 $0x5000  }
0x6: {  	s16 =	simm.s32 $0x7800;
	s17 =	simm.s32 $0x3;
	s18 =	simm.s32 $0x1  }
0x7: {  	s19 =	simm.s32 $0x1388;
	s20 =	simm.s32 $0x6400;
	s21 =	simm.s32 $0x2  }
0x8: {  	s22 =	simm.s32 $0x0;
	s5 =	sand.u32 $0x1, s5;
	s9 =	smul.u32 $0xC40, s1  }
0x9: {  	[smem:$0x7FF] =	sst s3;
	s6 =	smul.u32 $0xC400, s5;
	s7 =	sshll.u32 s5, $0x4  }
0xa: {  	s10 =	sadd.s32 $0x1600, s4;
	s5 =	ssub.s32 $0x2, s5;
	s7 =	sor.u32 s1, s7  }
0xb: {  	s8 =	sshrl.u32 s5, $0x1;
	s6 =	sadd.s32 s9, s6;
	s7 =	smul.u32 $0x61A8, s7  }
0xc: {  	_ =	strace $0x80000047;
	s12 =	ssub.s32 s5, s8;
	s6 =	sshrl.u32 s6, $0x3  }
0xd: {  	s9 =	sadd.s32 s9, s2;
	s11 =	sadd.s32 s6, s4;
	s30 =	sadd.s32 $0x1388, s7  }
0xe: {  	s29 =	sshrl.u32 s7, $0x3;
	s31 =	sadd.s32 $0x3A98, s7;
	s5 =	sshrl.u32 s30, $0x3  }
0xf: {  	s4 =	sadd.s32 s10, s29;
	s7 =	sshrl.u32 s31, $0x3;
	s5 =	sadd.s32 s10, s5  }
0x10: {  	s6 =	sadd.s32 $0x4E2, s4;
	s7 =	sadd.s32 s10, s7;
	s8 =	sadd.s32 $0x9C4, s4  }
0x11: {  	v0 =	vimm.f32 $1.000000000e+00;
	v1 =	vimm.f32 $0.0e+00;
	s10 =	sadd.s32 $0x32600, s11;
	s11 =	smax.u32 s12, $0x1;
	s12 =	simm.s32 $0x1400  }
.LBB2_1:
0x12: {  	[tilespmem:s3], [sflag:$0x1] =	stream.linear.gather [hbm4b:s4+s3], $0x1388, $0x38;
	[tilespmem:$0x90C0] =	vst v63  }
0x13: {  	_ = 	snop  }
0x14: {  	[tilespmem:s12], [sflag:$0x1] =	stream.linear.gather [hbm4b:s5+s3], $0x1388, $0x38;
	[tilespmem:$0x90C0] =	vst v63  }
0x15: {  	_ = 	snop  }
0x16: {  	[tilespmem:s13], [sflag:$0x1] =	stream.linear.gather [hbm4b:s6+s3], $0x1388, $0x38;
	[tilespmem:$0x90C0] =	vst v63  }
0x17: {  	_ = 	snop  }
0x18: {  	[tilespmem:s14], [sflag:$0x1] =	stream.linear.gather [hbm4b:s7+s3], $0x1388, $0x38;
	[tilespmem:$0x90C0] =	vst v63  }
0x19: {  	s23 =	simm.s32 $0x0  }
0x1a: {  	[tilespmem:s15], [sflag:$0x1] =	stream.linear.gather [hbm4b:s8+s3], $0x1388, $0x38;
	[tilespmem:$0x90C0] =	vst v63  }
.LBB2_2:
0x1b: {  	p0 =	sne.s32 s23, $0x4E00  }
.Ltmp0:
0x1c: {  	_ = 	snop;
	(pc) =	sbr.rel @p0 .LBB2_2-.Ltmp0, $3  }
0x1d: {  	_ =	sdelay $0x1  }
0x1e: {  	s24 =	sshra.s32 s23, $0x2  }
0x1f: {  	s23 =	sadd.s32 $0x40, s23;
	[tilespmem:s24+$0x6400] =	vst v0  }
0x20: {  	s23 =	simm.s32 $0x40;
	s24 =	simm.s32 $0x0  }
.LBB2_4:
0x21: {  	p0 =	sne.s32 s23, $0x30C0;
	[tilespmem:s24+$0x7800] =	vst v1;
	s24 =	smov.u32 s23;
	s23 =	sadd.s32 $0x40, s23  }
.Ltmp1:
0x22: {  	(pc) =	sbr.rel @p0 .LBB2_4-.Ltmp1, $2  }
0x23: {  	_ =	sdelay $0x2  }
0x24: {  	s24 =	sshra.s32 s24, $0x2  }
0x25: {  	[tilespmem:s24+$0x7800] =	vst v1  }
0x26: {  	[spmem:s9] =	stream.linear.scatter [tilespmem:s16], [sflag:$0x3], $0xC40, $0x38;
	[tilespmem:$0x90C0] =	vst v63  }
0x27: {  	_ =	swait.ge [sflag:s17], $0xC40  }
0x28: {  	[sflag:s17] =	ssyncset.done $0x0  }
0x29: {  	[sflag:s17] =	ssyncadd.s32 $0xFFFFF3C0  }
0x2a: {  	[bflag:$0x0] =	sbarrier.arrive $0xFFFF  }
0x2b: {  	_ =	swait.ge [sflag:s18], $0x1388  }
0x2c: {  	[sflag:s18] =	ssyncset.done $0x0  }
0x2d: {  	[sflag:s18] =	ssyncadd.s32 $0xFFFFEC78  }
0x2e: {  	[spmem:s2] =	stream.indirect.scatter.add.f32 [tilespmem:s20], [sflag:$0x2], $0x1, s3, s19, $0xb8;
	[tilespmem:$0x90C0] =	vst v63  }
0x2f: {  	_ =	swait.ge [sflag:s18], $0x1388  }
0x30: {  	[sflag:s18] =	ssyncset.done $0x0  }
0x31: {  	[sflag:s18] =	ssyncadd.s32 $0xFFFFEC78  }
0x32: {  	[spmem:s2] =	stream.indirect.scatter.add.f32 [tilespmem:s20], [sflag:$0x2], $0x1, s12, s19, $0xb8;
	[tilespmem:$0x90C0] =	vst v63  }
0x33: {  	_ =	swait.ge [sflag:s18], $0x1388  }
0x34: {  	[sflag:s18] =	ssyncset.done $0x0  }
0x35: {  	[sflag:s18] =	ssyncadd.s32 $0xFFFFEC78  }
0x36: {  	[spmem:s2] =	stream.indirect.scatter.add.f32 [tilespmem:s20], [sflag:$0x2], $0x1, s13, s19, $0xb8;
	[tilespmem:$0x90C0] =	vst v63  }
0x37: {  	_ =	swait.ge [sflag:s18], $0x1388  }
0x38: {  	[sflag:s18] =	ssyncset.done $0x0  }
0x39: {  	[sflag:s18] =	ssyncadd.s32 $0xFFFFEC78  }
0x3a: {  	[spmem:s2] =	stream.indirect.scatter.add.f32 [tilespmem:s20], [sflag:$0x2], $0x1, s14, s19, $0xb8;
	[tilespmem:$0x90C0] =	vst v63  }
0x3b: {  	_ =	swait.ge [sflag:s18], $0x1388  }
0x3c: {  	[sflag:s18] =	ssyncset.done $0x0  }
0x3d: {  	[sflag:s18] =	ssyncadd.s32 $0xFFFFEC78  }
0x3e: {  	[spmem:s2] =	stream.indirect.scatter.add.f32 [tilespmem:s20], [sflag:$0x2], $0x1, s15, s19, $0xb8;
	[tilespmem:$0x90C0] =	vst v63  }
0x3f: {  	_ =	swait.ge [sflag:s21], $0x1388  }
0x40: {  	[sflag:s21] =	ssyncset.done $0x0  }
0x41: {  	[sflag:s21] =	ssyncadd.s32 $0xFFFFEC78  }
0x42: {  	_ =	swait.ge [sflag:s21], $0x1388  }
0x43: {  	[sflag:s21] =	ssyncset.done $0x0  }
0x44: {  	[sflag:s21] =	ssyncadd.s32 $0xFFFFEC78  }
0x45: {  	_ =	swait.ge [sflag:s21], $0x1388  }
0x46: {  	[sflag:s21] =	ssyncset.done $0x0  }
0x47: {  	[sflag:s21] =	ssyncadd.s32 $0xFFFFEC78  }
0x48: {  	_ =	swait.ge [sflag:s21], $0x1388  }
0x49: {  	[sflag:s21] =	ssyncset.done $0x0  }
0x4a: {  	[sflag:s21] =	ssyncadd.s32 $0xFFFFEC78  }
0x4b: {  	_ =	swait.ge [sflag:s21], $0x1388  }
0x4c: {  	[sflag:s21] =	ssyncset.done $0x0  }
0x4d: {  	[sflag:s21] =	ssyncadd.s32 $0xFFFFEC78  }
0x4e: {  	[bflag:$0x0] =	sbarrier.arrive $0xFFFF  }
0x4f: {  	[tilespmem:s16], [sflag:$0x3] =	stream.linear.gather [spmem:s9], $0xC40, $0x38;
	[tilespmem:$0x90C0] =	vst v63  }
0x50: {  	s22 =	sadd.s32 $0x1, s22;
	_ =	swait.ge [sflag:s17], $0xC40  }
0x51: {  	p0 =	sne.s32 s22, s11;
	[sflag:s17] =	ssyncset.done $0x0  }
.Ltmp2:
0x52: {  	[sflag:s17] =	ssyncadd.s32 $0xFFFFF3C0;
	(pc) =	sbr.rel @p0 .LBB2_1-.Ltmp2, $4  }
0x53: {  	[hbm4b:s10+s3] =	stream.linear.scatter [tilespmem:s16], [sflag:$0x3], $0xC40, $0x38;
	[tilespmem:$0x90C0] =	vst v63  }
0x54: {  	_ =	swait.ge [sflag:s17], $0xC40  }
0x55: {  	[sflag:s17] =	ssyncset.done $0x0  }
0x56: {  	[sflag:s17] =	ssyncadd.s32 $0xFFFFF3C0  }
0x57: {  	_ =	sfence.sel $0x180000  }
0x58: {  	[bflag:$0x0] =	sbarrier.arrive $0xFFFF  }
0x59: {  	p0 =	sne.s32 s1, $0x0;
	_ =	strace $0x90000047  }
0x5a: {  	s0 =	sadd.s32 @!p0 $0x100000, s0;
	[bflag:$0x2] =	sbarrier.arrive $0xFFFF  }
0x5b: {  	[sflag:s0] =	ssyncadd.tile.s32 @!p0 $0x1;
	_ =	shalt  }
.Lfunc_end2:
_tile_overlayer_lowered:
.L_overlay_start_2:
0x5c: {  	(tag) =	ssettag $0x2  }
0x5d: {  	s0 =	rddreg [dreg:$0x0];
	s2 =	stileid.u32  }
0x5e: {  	s1 =	rddreg [dreg:$0x1];
	p0 =	sne.s32 s2, $0x0  }
0x5f: {  	s3 =	rddreg [dreg:$0x2];
	[bflag:$0x3] =	sbarrier.arrive $0xFFFF;
	s2 =	simm.s32 @!p0 $0x1C03  }
0x60: {  	[timem:s3], [sflag:s2] =	dma.local @!p0 [hbm:s0], s1  }
0x61: {  	s0 =	simm.s32 @!p0 $0x3  }
0x62: {  	_ =	swait.ge @!p0 [sflag:s0], s1  }
0x63: {  	s1 =	ssub.s32 @!p0 $0x0, s1;
	[sflag:s0] =	ssyncset.done @!p0 $0x0  }
0x64: {  	[sflag:s0] =	ssyncadd.s32 @!p0 s1  }
0x65: {  	[bflag:$0x3] =	sbarrier.arrive $0xFFFF  }
0x66: {  	_ =	shalt  }

// kernel: kernel.13.cloned.1.call-start
scs
__scs_entry_jumppad:
0x0: {  	(pc) =	sbr.rel $0x88, $3  }
0x1: {  	(tag) =	ssettag $0x0;
	lr =	simm.s32 $0x1  }
0x2: {  	[smem:$0x3F9B] =	sst lr;
	_ =	strace $0xD0000000  }
0x3: {  	_ = 	snop  }
0x4: {  	_ = 	snop  }
0x5: {  	_ = 	snop  }
0x6: {  	_ = 	snop  }
0x7: {  	_ = 	snop  }
__scs_overlays_trampoline_lowered:
0x8: {  	[smem:$0x3FAA] =	sst s0  }
0x9: {  	[smem:$0x3FAB] =	sst s1  }
0xa: {  	[smem:$0x3FAC] =	sst s2  }
0xb: {  	[smem:$0x3FAD] =	sst s3  }
0xc: {  	[smem:$0x3FAE] =	sst s4  }
0xd: {  	[smem:$0x3FAF] =	sst s5  }
0xe: {  	[smem:$0x3FB0] =	sst s6  }
0xf: {  	[smem:$0x3FB1] =	sst s7  }
0x10: {  	[smem:$0x3FB2] =	sst s8  }
0x11: {  	[smem:$0x3FB3] =	sst s9;
	s0 =	simm.s32 @!p0 $0x0  }
0x12: {  	s1 =	sld [smem:$0x3F99];
	s0 =	simm.s32 @p0 $0x1  }
0x13: {  	[smem:$0x3FB4] =	sst s0;
	s0 =	simm.s32 @!p1 $0x0  }
0x14: {  	s2 =	sld [smem:$0x3F98];
	s0 =	simm.s32 @p1 $0x1  }
0x15: {  	[smem:$0x3FB5] =	sst s0;
	s0 =	simm.s32 @!p2 $0x0  }
0x16: {  	s3 =	sld [smem:$0x3FDB];
	s0 =	simm.s32 @p2 $0x1  }
0x17: {  	s4 =	simm.s32 $0x1BF5;
	[smem:$0x3FB7] =	sst s0  }
0x18: {  	s0 =	sld [smem:$0x3F9A];
	_ =	swait.ge [sflag:s4], $0x0  }
0x19: {  	s7 =	sld [smem:$0x3F9B]  }
0x1a: {  	s8 =	sadd.s32 $0xFFFFE003, lr  }
0x1b: {  	s9 =	sadd.s32 $0xFFFFFEF7, lr;
	s5 =	simm.s32 $0xFFFFFFFF;
	p2 =	slt.u32 s8, $0xFFFFF086  }
0x1c: {  	p1 =	slt.u32 s9, $0xF7A;
	s5 =	simm.s32 @!p2 $0x0  }
0x1d: {  	s5 =	simm.s32 @p1 $0x1;
	p0 =	seq.s32 s7, s2  }
0x1e: {  	s7 =	smul.u32 @!p0 $0xF7A, s2;
	p2 =	seq.s32 @!p0 s5, $0x0  }
0x1f: {  	s9 =	smul.u32 $0xF7A, s1;
	s8 =	simm.s32 @!p0 $0x1BF5;
	p2 =	por !p2, p0  }
0x20: {  	[sflag:s8] =	ssyncset.s32 @!p0 $0xFFFFF086;
	s6 =	sadd.s32 @!p0 s3, s7;
	s7 =	simm.s32 @!p0 $0x108  }
0x21: {  	s3 =	sadd.s32 s3, s9;
	s6 =	sadd.s32 @!p0 $0x88, s6;
	s7 =	simm.s32 @p2 $0x1082  }
0x22: {  	[simem:s7], [sflag:s8] =	dma.local @!p0 [hbm:s6], $0xF7A  }
0x23: {  	s9 =	sor.u32 $0xD0000000, s2;
	s6 =	simm.s32 $0x108;
	_ =	swait.ge @!p0 [sflag:s8], $0x0  }
0x24: {  	s3 =	sadd.s32 $0x88, s3;
	s6 =	simm.s32 @!p1 $0x1082;
	[sflag:s4] =	ssyncset.s32 $0xFFFFF086  }
0x25: {  	[simem:s6], [sflag:s4] =	dma.local [hbm:s3], $0xF7A  }
0x26: {  	[smem:$0x3F9B] =	sst s1;
	(tag) =	ssettag s2;
	_ =	strace s9  }
0x27: {  	s1 =	sld [smem:$0x3FAB]  }
0x28: {  	s2 =	sld [smem:$0x3FAC]  }
0x29: {  	s4 =	sld [smem:$0x3FAE]  }
0x2a: {  	p0 =	seq.s32 s5, $0x0;
	s5 =	sld [smem:$0x3FAF]  }
0x2b: {  	s6 =	sld [smem:$0x3FB0]  }
0x2c: {  	s7 =	sld [smem:$0x3FB1]  }
0x2d: {  	s3 =	simm.s32 $0x108;
	s8 =	sld [smem:$0x3FB2]  }
0x2e: {  	s3 =	simm.s32 @!p0 $0x1082;
	s9 =	sld [smem:$0x3FB3]  }
0x2f: {  	lr =	sadd.s32 s0, s3;
	s0 =	sld [smem:$0x3FAA]  }
0x30: {  	s3 =	sld [smem:$0x3FAD]  }
0x31: {  	[smem:$0x3FB6] =	sst s10  }
0x32: {  	s10 =	sld [smem:$0x3FB4];
	_ =	sdelay $0x3  }
0x33: {  	p0 =	seq.s32 s10, $0x1;
	s10 =	sld [smem:$0x3FB6];
	_ =	sdelay $0x3  }
0x34: {  	[smem:$0x3FB6] =	sst s10  }
0x35: {  	s10 =	sld [smem:$0x3FB5];
	_ =	sdelay $0x3  }
0x36: {  	p1 =	seq.s32 s10, $0x1;
	s10 =	sld [smem:$0x3FB6];
	_ =	sdelay $0x3  }
0x37: {  	[smem:$0x3FB6] =	sst s10  }
0x38: {  	s10 =	sld [smem:$0x3FB7]  }
0x39: {  	_ = 	snop;
	(pc) =	sbr.ind lr, $3  }
0x3a: {  	_ = 	snop  }
0x3b: {  	_ = 	snop  }
0x3c: {  	p2 =	seq.s32 s10, $0x1;
	s10 =	sld [smem:$0x3FB6]  }
0x3d: {  	_ =	shalt  }
0x3e: {  	_ =	shalt  }
0x3f: {  	_ =	shalt  }
0x40: {  	_ =	shalt  }
0x41: {  	_ =	shalt  }
0x42: {  	_ =	shalt  }
0x43: {  	_ =	shalt  }
0x44: {  	_ =	shalt  }
0x45: {  	_ =	shalt  }
0x46: {  	_ =	shalt  }
0x47: {  	_ =	shalt  }
0x48: {  	_ =	shalt  }
0x49: {  	_ =	shalt  }
0x4a: {  	_ =	shalt  }
0x4b: {  	_ =	shalt  }
0x4c: {  	_ =	shalt  }
0x4d: {  	_ =	shalt  }
0x4e: {  	_ =	shalt  }
0x4f: {  	_ =	shalt  }
0x50: {  	_ =	shalt  }
0x51: {  	_ =	shalt  }
0x52: {  	_ =	shalt  }
0x53: {  	_ =	shalt  }
0x54: {  	_ =	shalt  }
0x55: {  	_ =	shalt  }
0x56: {  	_ =	shalt  }
0x57: {  	_ =	shalt  }
0x58: {  	_ =	shalt  }
0x59: {  	_ =	shalt  }
0x5a: {  	_ =	shalt  }
0x5b: {  	_ =	shalt  }
0x5c: {  	_ =	shalt  }
0x5d: {  	_ =	shalt  }
0x5e: {  	_ =	shalt  }
0x5f: {  	_ =	shalt  }
0x60: {  	_ =	shalt  }
0x61: {  	_ =	shalt  }
0x62: {  	_ =	shalt  }
0x63: {  	_ =	shalt  }
0x64: {  	_ =	shalt  }
0x65: {  	_ =	shalt  }
0x66: {  	_ =	shalt  }
0x67: {  	_ =	shalt  }
0x68: {  	_ =	shalt  }
0x69: {  	_ =	shalt  }
0x6a: {  	_ =	shalt  }
0x6b: {  	_ =	shalt  }
0x6c: {  	_ =	shalt  }
0x6d: {  	_ =	shalt  }
0x6e: {  	_ =	shalt  }
0x6f: {  	_ =	shalt  }
0x70: {  	_ =	shalt  }
0x71: {  	_ =	shalt  }
0x72: {  	_ =	shalt  }
0x73: {  	_ =	shalt  }
0x74: {  	_ =	shalt  }
0x75: {  	_ =	shalt  }
0x76: {  	_ =	shalt  }
0x77: {  	_ =	shalt  }
0x78: {  	_ =	shalt  }
0x79: {  	_ =	shalt  }
0x7a: {  	_ =	shalt  }
0x7b: {  	_ =	shalt  }
0x7c: {  	_ =	shalt  }
0x7d: {  	_ =	shalt  }
0x7e: {  	_ =	shalt  }
0x7f: {  	_ =	shalt  }
0x80: {  	_ =	shalt  }
0x81: {  	_ =	shalt  }
0x82: {  	_ =	shalt  }
0x83: {  	_ =	shalt  }
0x84: {  	_ =	shalt  }
0x85: {  	_ =	shalt  }
0x86: {  	_ =	shalt  }
0x87: {  	_ =	shalt  }
.Lfunc_end0:
.L_simem_size_0:
called_computation.1_lowered:
.L_overlay_start_0:
0x88: {  	s2 =	sld [smem:$0x3FD9]  }
0x89: {  	s3 =	sld [smem:$0x3FFE];
	_ =	sdelay $0x1  }
0x8a: {  	s1 =	srdreg.scid  }
0x8b: {  	s0 =	sand.u32 $0x1, s1  }
0x8c: {  	s16 =	sshll.u32 s0, $0xA;
	s2 =	sadd.s32 s3, s2  }
0x8d: {  	s2 =	sadd.s32 s2, s16  }
0x8e: {  	[smem:$0x3FC2] =	sst s2  }
0x8f: {  	_ = 	snop  }
0x90: {  	(tm) =	ssettm $0x1  }
0x91: {  	s17 =	sld [smem:$0x3FFB];
	_ =	sdelay $0x3  }
0x92: {  	_ =	strace s17  }
0x93: {  	s2 =	sld [smem:$0x3FFC];
	_ =	sdelay $0x3  }
0x94: {  	_ =	strace s2  }
0x95: {  	s2 =	sld [smem:$0x3FFD];
	_ =	sdelay $0x3  }
0x96: {  	_ =	strace s2  }
0x97: {  	_ =	strace $0x8FFFFFFF  }
0x98: {  	s18 =	sld [smem:$0x3FDB];
	_ =	sdelay $0x1  }
0x99: {  	s19 =	simm.s32 $_scs_section_size  }
0x9a: {  	s4 =	simm.s32 $_size__tile_overlayer_lowered;
	s5 =	simm.s32 $_tile_overlayer_lowered  }
0x9b: {  	s22 =	simm.s32 $0x1BFF;
	s21 =	sshll.u32 s5, $0x1;
	s2 =	sadd.s32 s19, s18  }
0x9c: {  	s6 =	simm.s32 $0x0;
	s20 =	sshll.u32 s4, $0x1;
	s4 =	sadd.s32 s21, s2  }
0x9d: {  	[timem:s6], [sflag:s22] =	dma.local [hbm:s4], s20  }
0x9e: {  	_ =	swait.ge [sflag:s22], s20  }
0x9f: {  	s3 =	ssub.s32 $0x0, s20;
	[sflag:s22] =	ssyncset.done $0x0  }
0xa0: {  	[sflag:s22] =	ssyncadd.s32 s3;
	_ =	sdelay $0x1  }
0xa1: {  	s23 =	simm.s32 $0x1B8B  }
0xa2: {  	_ =	swait.ge [sflag:s23], $0x1  }
0xa3: {  	[sflag:s23] =	ssyncset.done $0x0  }
0xa4: {  	s25 =	simm.s32 $0x1B8E;
	s24 =	sld [smem:$0x3FFE];
	[sflag:s23] =	ssyncadd.s32 $0xFFFFFFFF  }
0xa5: {  	s26 =	simm.s32 $execute0_lowered;
	[smem:$0x3FD2] =	sst s25  }
0xa6: {  	s4 =	sshll.u32 s26, $0x1;
	_ =	strace $0x80000049;
	[dreg:$0x1] =	wrdreg $0xFFFFFFFF  }
0xa7: {  	s28 =	simm.s32 $_size_execute0_lowered;
	s2 =	sadd.s32 s2, s4;
	[dreg:$0x0] =	wrdreg $0x0  }
0xa8: {  	s4 =	sshll.u32 s28, $0x1;
	[dreg:$0x2] =	wrdreg s2  }
0xa9: {  	[dreg:$0x3] =	wrdreg s4  }
0xaa: {  	[dreg:$0x4] =	wrdreg $0xC0  }
0xab: {  	_ =	task [dreg:s6], $0x5FFFF  }
0xac: {  	[dreg:$0x1] =	wrdreg $0xFFFFFFFF  }
0xad: {  	[dreg:$0x0] =	wrdreg $0x60  }
0xae: {  	[dreg:$0x2] =	wrdreg s24  }
0xaf: {  	[dreg:$0x3] =	wrdreg $0x138800  }
0xb0: {  	[dreg:$0x4] =	wrdreg $0x144C00  }
0xb1: {  	[dreg:$0x5] =	wrdreg $0x9  }
0xb2: {  	_ =	task.clear_ibuf [dreg:s6], $0x6FFFF;
	_ =	strace $0x90000049  }
0xb3: {  	s29 =	simm.s32 $0x9;
	_ =	strace $0x8000004B  }
0xb4: {  	_ =	swait.ge [sflag:s29], $0x1  }
0xb5: {  	[sflag:s29] =	ssyncadd.s32 $0xFFFFFFFF  }
0xb6: {  	_ =	strace $0x9000004B  }
0xb7: {  	_ =	sfence  }
0xb8: {  	s30 =	sld [smem:$0x0];
	_ =	sdelay $0x2  }
0xb9: {  	s31 =	sshll.u32 s1, $0xD;
	s1 =	sshrl.u32 s1, $0x2  }
0xba: {  	s3 =	sand.u32 $0x4000, s31;
	s1 =	sadd.s32 s1, s30  }
0xbb: {  	s0 =	sor.u32 s3, s0;
	s1 =	sshll.u32 s1, $0x11  }
0xbc: {  	s0 =	sor.u32 s1, s0  }
0xbd: {  	s0 =	sadd.s32 $0x8F2B, s0  }
0xbe: {  	[sflag:s0] =	ssyncadd.remote.s32 $0x1  }
0xbf: {  	_ =	sfence.sel $0xFFFF  }
0xc0: {  	[dreg:$0x0] =	wrdreg $0xFFFFFFFF;
	(pc) =	sbr.abs _section_cstart, $3  }
0xc1: {  	[dreg:$0x1] =	wrdreg $0xFFFFFFFF  }
0xc2: {  	_ =	task.clear_ibuf [dreg:s6], $0x2FFFF;
	_ =	strace $0x9FFFFFFF  }
0xc3: {  	(tm) =	ssettm $0x7FFFFFFF  }
tec
execute0_lowered:
.L_overlay_start_1:
0x0: {  	(tag) =	ssettag $0x1  }
0x1: {  	s0 =	rddreg [dreg:$0x0]  }
0x2: {  	s2 =	rddreg [dreg:$0x1]  }
0x3: {  	s3 =	rddreg [dreg:$0x2]  }
0x4: {  	s10 =	stileid.u32;
	s1 =	srdreg.scid  }
0x5: {  	s4 =	simm.s32 $0x0;
	s28 =	simm.s32 $0xA000;
	s29 =	simm.s32 $0xB400  }
0x6: {  	s30 =	simm.s32 $0x12C00;
	s31 =	simm.s32 $0x4;
	s5 =	smul.u32 $0xC40, s10  }
0x7: {  	s1 =	sand.u32 $0x1, s1;
	[smem:$0x7FF] =	sst s4;
	s7 =	sadd.s32 $0x19E00, s0  }
0x8: {  	s9 =	sadd.s32 $0x1600, s0;
	s6 =	smul.u32 $0xC400, s1;
	s8 =	sshll.u32 s1, $0x4  }
0x9: {  	_ =	strace $0x8000004A;
	s1 =	ssub.s32 $0x2, s1;
	s8 =	sor.u32 s10, s8  }
0xa: {  	s17 =	sshrl.u32 s5, $0x3;
	s18 =	sshrl.u32 s1, $0x1;
	s15 =	sadd.s32 s5, s2  }
0xb: {  	s6 =	sadd.s32 s5, s6;
	s8 =	smul.u32 $0x61A8, s8;
	s10 =	sadd.s32 s17, s0  }
0xc: {  	s1 =	ssub.s32 s1, s18;
	s17 =	sadd.s32 s5, s3;
	s5 =	simm.s32 $0xC800  }
0xd: {  	s6 =	sshrl.u32 s6, $0x3;
	s16 =	sadd.s32 $0x32600, s10;
	s10 =	simm.s32 $0x2  }
0xe: {  	s0 =	sadd.s32 s6, s0;
	s11 =	sshrl.u32 s8, $0x3;
	s12 =	sadd.s32 $0x1388, s8  }
0xf: {  	s8 =	sadd.s32 $0x3A98, s8;
	s19 =	sadd.s32 s7, s11;
	s20 =	sshrl.u32 s12, $0x3  }
0x10: {  	s21 =	sadd.s32 $0x4E2, s11;
	s8 =	sshrl.u32 s8, $0x3;
	s22 =	sadd.s32 $0x9C4, s11  }
0x11: {  	s23 =	sadd.s32 s9, s11;
	s18 =	sadd.s32 $0x34000, s0;
	[dreg:$0x4] =	wrdreg s19  }
0x12: {  	s0 =	simm.s32 $0x1;
	s12 =	sadd.s32 s7, s20;
	[dreg:$0x9] =	wrdreg s23  }
0x13: {  	s11 =	simm.s32 $0x3;
	s13 =	sadd.s32 s7, s21;
	[dreg:$0x5] =	wrdreg s12  }
0x14: {  	s14 =	sadd.s32 s7, s8;
	s7 =	sadd.s32 s7, s22;
	[dreg:$0x6] =	wrdreg s13  }
0x15: {  	s6 =	sadd.s32 s9, s20;
	s24 =	sadd.s32 s9, s21;
	[dreg:$0x7] =	wrdreg s14  }
0x16: {  	s25 =	sadd.s32 s9, s8;
	s26 =	sadd.s32 s9, s22;
	[dreg:$0x8] =	wrdreg s7  }
0x17: {  	s19 =	smax.u32 s1, $0x1;
	s20 =	simm.s32 $0x1400;
	[dreg:$0xa] =	wrdreg s6  }
0x18: {  	s21 =	simm.s32 $0x2800;
	s22 =	simm.s32 $0x3C00;
	[dreg:$0xb] =	wrdreg s24  }
0x19: {  	s23 =	simm.s32 $0x5000;
	s1 =	simm.s32 $0x1388;
	[dreg:$0xc] =	wrdreg s25  }
0x1a: {  	s8 =	simm.s32 $0x10400;
	s9 =	simm.s32 $0x11800;
	[dreg:$0xd] =	wrdreg s26  }
0x1b: {  	s24 =	simm.s32 $0x6400;
	s25 =	simm.s32 $0x7800;
	s26 =	simm.s32 $0x8C00  }
0x1c: {  	v0 =	vimm.f32 $0.0e+00;
	s6 =	simm.s32 $0xDC00;
	s7 =	simm.s32 $0xF000;
	s12 =	simm.s32 $0x0  }
.LBB2_1:
0x1d: {  	s13 =	rddreg [dreg:$0x4]  }
0x1e: {  	[tilespmem:s4], [sflag:$0x1] =	stream.linear.gather [hbm4b:s13+s4], $0x1388, $0x38;
	[tilespmem:$0x15100] =	vst v63  }
0x1f: {  	s14 =	rddreg [dreg:$0x5]  }
0x20: {  	[tilespmem:s20], [sflag:$0x1] =	stream.linear.gather [hbm4b:s14+s4], $0x1388, $0x38;
	[tilespmem:$0x15100] =	vst v63  }
0x21: {  	s14 =	rddreg [dreg:$0x6]  }
0x22: {  	[tilespmem:s21], [sflag:$0x1] =	stream.linear.gather [hbm4b:s14+s4], $0x1388, $0x38;
	[tilespmem:$0x15100] =	vst v63  }
0x23: {  	s14 =	rddreg [dreg:$0x7]  }
0x24: {  	[tilespmem:s22], [sflag:$0x1] =	stream.linear.gather [hbm4b:s14+s4], $0x1388, $0x38;
	[tilespmem:$0x15100] =	vst v63  }
0x25: {  	s14 =	rddreg [dreg:$0x8]  }
0x26: {  	[tilespmem:s23], [sflag:$0x1] =	stream.linear.gather [hbm4b:s14+s4], $0x1388, $0x38;
	[tilespmem:$0x15100] =	vst v63  }
0x27: {  	s14 =	rddreg [dreg:$0x9]  }
0x28: {  	[tilespmem:s24], [sflag:$0x1] =	stream.linear.gather [hbm4b:s14+s4], $0x1388, $0x38;
	[tilespmem:$0x15100] =	vst v63  }
0x29: {  	s14 =	rddreg [dreg:$0xa]  }
0x2a: {  	[tilespmem:s25], [sflag:$0x1] =	stream.linear.gather [hbm4b:s14+s4], $0x1388, $0x38;
	[tilespmem:$0x15100] =	vst v63  }
0x2b: {  	s14 =	rddreg [dreg:$0xb]  }
0x2c: {  	[tilespmem:s26], [sflag:$0x1] =	stream.linear.gather [hbm4b:s14+s4], $0x1388, $0x38;
	[tilespmem:$0x15100] =	vst v63  }
0x2d: {  	s14 =	rddreg [dreg:$0xc]  }
0x2e: {  	[tilespmem:s28], [sflag:$0x1] =	stream.linear.gather [hbm4b:s14+s4], $0x1388, $0x38;
	[tilespmem:$0x15100] =	vst v63  }
0x2f: {  	s14 =	rddreg [dreg:$0xd]  }
0x30: {  	[tilespmem:s29], [sflag:$0x1] =	stream.linear.gather [hbm4b:s14+s4], $0x1388, $0x38;
	[tilespmem:$0x15100] =	vst v63  }
0x31: {  	s13 =	simm.s32 $0x40;
	s14 =	simm.s32 $0x0  }
.LBB2_2:
0x32: {  	p0 =	sne.s32 s13, $0x30C0;
	[tilespmem:s14+$0x12C00] =	vst v0;
	s14 =	smov.u32 s13;
	s13 =	sadd.s32 $0x40, s13  }
.Ltmp0:
0x33: {  	(pc) =	sbr.rel @p0 .LBB2_2-.Ltmp0, $2  }
0x34: {  	_ =	sdelay $0x2  }
0x35: {  	s14 =	sshra.s32 s14, $0x2  }
0x36: {  	[tilespmem:s14+$0x12C00] =	vst v0  }
0x37: {  	[spmem:s15] =	stream.linear.scatter [tilespmem:s30], [sflag:$0x4], $0xC40, $0x38;
	[tilespmem:$0x15100] =	vst v63  }
0x38: {  	_ =	swait.ge [sflag:s31], $0xC40  }
0x39: {  	[sflag:s31] =	ssyncset.done $0x0  }
0x3a: {  	[sflag:s31] =	ssyncadd.s32 $0xFFFFF3C0  }
0x3b: {  	[tilespmem:s30], [sflag:$0x4] =	stream.linear.gather [hbm4b:s16+s4], $0xC40, $0x38;
	[tilespmem:$0x15100] =	vst v63  }
0x3c: {  	_ =	swait.ge [sflag:s31], $0xC40  }
0x3d: {  	[sflag:s31] =	ssyncset.done $0x0  }
0x3e: {  	[sflag:s31] =	ssyncadd.s32 $0xFFFFF3C0  }
0x3f: {  	[spmem:s17] =	stream.linear.scatter [tilespmem:s30], [sflag:$0x4], $0xC40, $0x38;
	[tilespmem:$0x15100] =	vst v63  }
0x40: {  	_ =	swait.ge [sflag:s31], $0xC40  }
0x41: {  	[sflag:s31] =	ssyncset.done $0x0  }
0x42: {  	[sflag:s31] =	ssyncadd.s32 $0xFFFFF3C0  }
0x43: {  	[bflag:$0x0] =	sbarrier.arrive $0xFFFF  }
0x44: {  	_ =	swait.ge [sflag:s0], $0x1388  }
0x45: {  	[sflag:s0] =	ssyncset.done $0x0  }
0x46: {  	[sflag:s0] =	ssyncadd.s32 $0xFFFFEC78  }
0x47: {  	[tilespmem:s5], [sflag:$0x2] =	stream.indirect.gather [spmem:s3], $0x1, s4, s1, $0xb8;
	[tilespmem:$0x15100] =	vst v63  }
0x48: {  	_ =	swait.ge [sflag:s0], $0x1388  }
0x49: {  	[sflag:s0] =	ssyncset.done $0x0  }
0x4a: {  	[sflag:s0] =	ssyncadd.s32 $0xFFFFEC78  }
0x4b: {  	[tilespmem:s6], [sflag:$0x2] =	stream.indirect.gather [spmem:s3], $0x1, s20, s1, $0xb8;
	[tilespmem:$0x15100] =	vst v63  }
0x4c: {  	_ =	swait.ge [sflag:s0], $0x1388  }
0x4d: {  	[sflag:s0] =	ssyncset.done $0x0  }
0x4e: {  	[sflag:s0] =	ssyncadd.s32 $0xFFFFEC78  }
0x4f: {  	[tilespmem:s7], [sflag:$0x2] =	stream.indirect.gather [spmem:s3], $0x1, s21, s1, $0xb8;
	[tilespmem:$0x15100] =	vst v63  }
0x50: {  	_ =	swait.ge [sflag:s0], $0x1388  }
0x51: {  	[sflag:s0] =	ssyncset.done $0x0  }
0x52: {  	[sflag:s0] =	ssyncadd.s32 $0xFFFFEC78  }
0x53: {  	[tilespmem:s8], [sflag:$0x2] =	stream.indirect.gather [spmem:s3], $0x1, s22, s1, $0xb8;
	[tilespmem:$0x15100] =	vst v63  }
0x54: {  	_ =	swait.ge [sflag:s0], $0x1388  }
0x55: {  	[sflag:s0] =	ssyncset.done $0x0  }
0x56: {  	[sflag:s0] =	ssyncadd.s32 $0xFFFFEC78  }
0x57: {  	[tilespmem:s9], [sflag:$0x2] =	stream.indirect.gather [spmem:s3], $0x1, s23, s1, $0xb8;
	[tilespmem:$0x15100] =	vst v63  }
0x58: {  	_ =	swait.ge [sflag:s10], $0x1388  }
0x59: {  	[sflag:s10] =	ssyncset.done $0x0  }
0x5a: {  	[sflag:s10] =	ssyncadd.s32 $0xFFFFEC78  }
0x5b: {  	_ =	swait.ge [sflag:s0], $0x1388  }
0x5c: {  	[sflag:s0] =	ssyncset.done $0x0  }
0x5d: {  	[sflag:s0] =	ssyncadd.s32 $0xFFFFEC78  }
0x5e: {  	[spmem:s2] =	stream.indirect.scatter.add.f32 [tilespmem:s5], [sflag:$0x3], $0x1, s24, s1, $0xb8;
	[tilespmem:$0x15100] =	vst v63  }
0x5f: {  	_ =	swait.ge [sflag:s10], $0x1388  }
0x60: {  	[sflag:s10] =	ssyncset.done $0x0  }
0x61: {  	[sflag:s10] =	ssyncadd.s32 $0xFFFFEC78  }
0x62: {  	_ =	swait.ge [sflag:s0], $0x1388  }
0x63: {  	[sflag:s0] =	ssyncset.done $0x0  }
0x64: {  	[sflag:s0] =	ssyncadd.s32 $0xFFFFEC78  }
0x65: {  	[spmem:s2] =	stream.indirect.scatter.add.f32 [tilespmem:s6], [sflag:$0x3], $0x1, s25, s1, $0xb8;
	[tilespmem:$0x15100] =	vst v63  }
0x66: {  	_ =	swait.ge [sflag:s10], $0x1388  }
0x67: {  	[sflag:s10] =	ssyncset.done $0x0  }
0x68: {  	[sflag:s10] =	ssyncadd.s32 $0xFFFFEC78  }
0x69: {  	_ =	swait.ge [sflag:s0], $0x1388  }
0x6a: {  	[sflag:s0] =	ssyncset.done $0x0  }
0x6b: {  	[sflag:s0] =	ssyncadd.s32 $0xFFFFEC78  }
0x6c: {  	[spmem:s2] =	stream.indirect.scatter.add.f32 [tilespmem:s7], [sflag:$0x3], $0x1, s26, s1, $0xb8;
	[tilespmem:$0x15100] =	vst v63  }
0x6d: {  	_ =	swait.ge [sflag:s10], $0x1388  }
0x6e: {  	[sflag:s10] =	ssyncset.done $0x0  }
0x6f: {  	[sflag:s10] =	ssyncadd.s32 $0xFFFFEC78  }
0x70: {  	_ =	swait.ge [sflag:s0], $0x1388  }
0x71: {  	[sflag:s0] =	ssyncset.done $0x0  }
0x72: {  	[sflag:s0] =	ssyncadd.s32 $0xFFFFEC78  }
0x73: {  	[spmem:s2] =	stream.indirect.scatter.add.f32 [tilespmem:s8], [sflag:$0x3], $0x1, s28, s1, $0xb8;
	[tilespmem:$0x15100] =	vst v63  }
0x74: {  	_ =	swait.ge [sflag:s10], $0x1388  }
0x75: {  	[sflag:s10] =	ssyncset.done $0x0  }
0x76: {  	[sflag:s10] =	ssyncadd.s32 $0xFFFFEC78  }
0x77: {  	_ =	swait.ge [sflag:s0], $0x1388  }
0x78: {  	[sflag:s0] =	ssyncset.done $0x0  }
0x79: {  	[sflag:s0] =	ssyncadd.s32 $0xFFFFEC78  }
0x7a: {  	[spmem:s2] =	stream.indirect.scatter.add.f32 [tilespmem:s9], [sflag:$0x3], $0x1, s29, s1, $0xb8;
	[tilespmem:$0x15100] =	vst v63  }
0x7b: {  	_ =	swait.ge [sflag:s11], $0x1388  }
0x7c: {  	[sflag:s11] =	ssyncset.done $0x0  }
0x7d: {  	[sflag:s11] =	ssyncadd.s32 $0xFFFFEC78  }
0x7e: {  	_ =	swait.ge [sflag:s11], $0x1388  }
0x7f: {  	[sflag:s11] =	ssyncset.done $0x0  }
0x80: {  	[sflag:s11] =	ssyncadd.s32 $0xFFFFEC78  }
0x81: {  	_ =	swait.ge [sflag:s11], $0x1388  }
0x82: {  	[sflag:s11] =	ssyncset.done $0x0  }
0x83: {  	[sflag:s11] =	ssyncadd.s32 $0xFFFFEC78  }
0x84: {  	_ =	swait.ge [sflag:s11], $0x1388  }
0x85: {  	[sflag:s11] =	ssyncset.done $0x0  }
0x86: {  	[sflag:s11] =	ssyncadd.s32 $0xFFFFEC78  }
0x87: {  	_ =	swait.ge [sflag:s11], $0x1388  }
0x88: {  	[sflag:s11] =	ssyncset.done $0x0  }
0x89: {  	[sflag:s11] =	ssyncadd.s32 $0xFFFFEC78  }
0x8a: {  	[bflag:$0x0] =	sbarrier.arrive $0xFFFF  }
0x8b: {  	[tilespmem:s30], [sflag:$0x4] =	stream.linear.gather [spmem:s15], $0xC40, $0x38;
	[tilespmem:$0x15100] =	vst v63  }
0x8c: {  	s12 =	sadd.s32 $0x1, s12;
	_ =	swait.ge [sflag:s31], $0xC40  }
0x8d: {  	p0 =	sne.s32 s12, s19;
	[sflag:s31] =	ssyncset.done $0x0  }
.Ltmp1:
0x8e: {  	[sflag:s31] =	ssyncadd.s32 $0xFFFFF3C0;
	(pc) =	sbr.rel @p0 .LBB2_1-.Ltmp1, $4  }
0x8f: {  	[hbm4b:s18+s4] =	stream.linear.scatter [tilespmem:s30], [sflag:$0x4], $0xC40, $0x38;
	[tilespmem:$0x15100] =	vst v63  }
0x90: {  	_ =	swait.ge [sflag:s31], $0xC40  }
0x91: {  	[sflag:s31] =	ssyncset.done $0x0  }
0x92: {  	[sflag:s31] =	ssyncadd.s32 $0xFFFFF3C0  }
0x93: {  	_ =	sfence.sel $0x180000  }
0x94: {  	[bflag:$0x0] =	sbarrier.arrive $0xFFFF  }
0x95: {  	_ =	strace $0x9000004A  }
0x96: {  	s0 =	stileid.u32;
	[bflag:$0x2] =	sbarrier.arrive $0xFFFF  }
0x97: {  	p0 =	sne.s32 s0, $0x0;
	s0 =	rddreg [dreg:$0x3]  }
0x98: {  	s0 =	sadd.s32 @!p0 $0x100000, s0  }
0x99: {  	[sflag:s0] =	ssyncadd.tile.s32 @!p0 $0x1;
	_ =	shalt  }
.Lfunc_end2:
_tile_overlayer_lowered:
.L_overlay_start_2:
0x9a: {  	(tag) =	ssettag $0x2  }
0x9b: {  	s0 =	rddreg [dreg:$0x0];
	s2 =	stileid.u32  }
0x9c: {  	s1 =	rddreg [dreg:$0x1];
	p0 =	sne.s32 s2, $0x0  }
0x9d: {  	s3 =	rddreg [dreg:$0x2];
	[bflag:$0x3] =	sbarrier.arrive $0xFFFF;
	s2 =	simm.s32 @!p0 $0x1C04  }
0x9e: {  	[timem:s3], [sflag:s2] =	dma.local @!p0 [hbm:s0], s1  }
0x9f: {  	s0 =	simm.s32 @!p0 $0x4  }
0xa0: {  	_ =	swait.ge @!p0 [sflag:s0], s1  }
0xa1: {  	s1 =	ssub.s32 @!p0 $0x0, s1;
	[sflag:s0] =	ssyncset.done @!p0 $0x0  }
0xa2: {  	[sflag:s0] =	ssyncadd.s32 @!p0 s1  }
0xa3: {  	[bflag:$0x3] =	sbarrier.arrive $0xFFFF  }
0xa4: {  	_ =	shalt  }

// kernel: kernel.16.cloned.1.call-start
scs
__scs_entry_jumppad:
0x0: {  	(pc) =	sbr.rel $0x88, $3  }
0x1: {  	(tag) =	ssettag $0x0;
	lr =	simm.s32 $0x1  }
0x2: {  	[smem:$0x3F9B] =	sst lr;
	_ =	strace $0xD0000000  }
0x3: {  	_ = 	snop  }
0x4: {  	_ = 	snop  }
0x5: {  	_ = 	snop  }
0x6: {  	_ = 	snop  }
0x7: {  	_ = 	snop  }
__scs_overlays_trampoline_lowered:
0x8: {  	[smem:$0x3FAA] =	sst s0  }
0x9: {  	[smem:$0x3FAB] =	sst s1  }
0xa: {  	[smem:$0x3FAC] =	sst s2  }
0xb: {  	[smem:$0x3FAD] =	sst s3  }
0xc: {  	[smem:$0x3FAE] =	sst s4  }
0xd: {  	[smem:$0x3FAF] =	sst s5  }
0xe: {  	[smem:$0x3FB0] =	sst s6  }
0xf: {  	[smem:$0x3FB1] =	sst s7  }
0x10: {  	[smem:$0x3FB2] =	sst s8  }
0x11: {  	[smem:$0x3FB3] =	sst s9;
	s0 =	simm.s32 @!p0 $0x0  }
0x12: {  	s1 =	sld [smem:$0x3F99];
	s0 =	simm.s32 @p0 $0x1  }
0x13: {  	[smem:$0x3FB4] =	sst s0;
	s0 =	simm.s32 @!p1 $0x0  }
0x14: {  	s2 =	sld [smem:$0x3F98];
	s0 =	simm.s32 @p1 $0x1  }
0x15: {  	[smem:$0x3FB5] =	sst s0;
	s0 =	simm.s32 @!p2 $0x0  }
0x16: {  	s3 =	sld [smem:$0x3FDB];
	s0 =	simm.s32 @p2 $0x1  }
0x17: {  	s4 =	simm.s32 $0x1BF5;
	[smem:$0x3FB7] =	sst s0  }
0x18: {  	s0 =	sld [smem:$0x3F9A];
	_ =	swait.ge [sflag:s4], $0x0  }
0x19: {  	s7 =	sld [smem:$0x3F9B]  }
0x1a: {  	s8 =	sadd.s32 $0xFFFFE003, lr  }
0x1b: {  	s9 =	sadd.s32 $0xFFFFFEF7, lr;
	s5 =	simm.s32 $0xFFFFFFFF;
	p2 =	slt.u32 s8, $0xFFFFF086  }
0x1c: {  	p1 =	slt.u32 s9, $0xF7A;
	s5 =	simm.s32 @!p2 $0x0  }
0x1d: {  	s5 =	simm.s32 @p1 $0x1;
	p0 =	seq.s32 s7, s2  }
0x1e: {  	s7 =	smul.u32 @!p0 $0xF7A, s2;
	p2 =	seq.s32 @!p0 s5, $0x0  }
0x1f: {  	s9 =	smul.u32 $0xF7A, s1;
	s8 =	simm.s32 @!p0 $0x1BF5;
	p2 =	por !p2, p0  }
0x20: {  	[sflag:s8] =	ssyncset.s32 @!p0 $0xFFFFF086;
	s6 =	sadd.s32 @!p0 s3, s7;
	s7 =	simm.s32 @!p0 $0x108  }
0x21: {  	s3 =	sadd.s32 s3, s9;
	s6 =	sadd.s32 @!p0 $0x88, s6;
	s7 =	simm.s32 @p2 $0x1082  }
0x22: {  	[simem:s7], [sflag:s8] =	dma.local @!p0 [hbm:s6], $0xF7A  }
0x23: {  	s9 =	sor.u32 $0xD0000000, s2;
	s6 =	simm.s32 $0x108;
	_ =	swait.ge @!p0 [sflag:s8], $0x0  }
0x24: {  	s3 =	sadd.s32 $0x88, s3;
	s6 =	simm.s32 @!p1 $0x1082;
	[sflag:s4] =	ssyncset.s32 $0xFFFFF086  }
0x25: {  	[simem:s6], [sflag:s4] =	dma.local [hbm:s3], $0xF7A  }
0x26: {  	[smem:$0x3F9B] =	sst s1;
	(tag) =	ssettag s2;
	_ =	strace s9  }
0x27: {  	s1 =	sld [smem:$0x3FAB]  }
0x28: {  	s2 =	sld [smem:$0x3FAC]  }
0x29: {  	s4 =	sld [smem:$0x3FAE]  }
0x2a: {  	p0 =	seq.s32 s5, $0x0;
	s5 =	sld [smem:$0x3FAF]  }
0x2b: {  	s6 =	sld [smem:$0x3FB0]  }
0x2c: {  	s7 =	sld [smem:$0x3FB1]  }
0x2d: {  	s3 =	simm.s32 $0x108;
	s8 =	sld [smem:$0x3FB2]  }
0x2e: {  	s3 =	simm.s32 @!p0 $0x1082;
	s9 =	sld [smem:$0x3FB3]  }
0x2f: {  	lr =	sadd.s32 s0, s3;
	s0 =	sld [smem:$0x3FAA]  }
0x30: {  	s3 =	sld [smem:$0x3FAD]  }
0x31: {  	[smem:$0x3FB6] =	sst s10  }
0x32: {  	s10 =	sld [smem:$0x3FB4];
	_ =	sdelay $0x3  }
0x33: {  	p0 =	seq.s32 s10, $0x1;
	s10 =	sld [smem:$0x3FB6];
	_ =	sdelay $0x3  }
0x34: {  	[smem:$0x3FB6] =	sst s10  }
0x35: {  	s10 =	sld [smem:$0x3FB5];
	_ =	sdelay $0x3  }
0x36: {  	p1 =	seq.s32 s10, $0x1;
	s10 =	sld [smem:$0x3FB6];
	_ =	sdelay $0x3  }
0x37: {  	[smem:$0x3FB6] =	sst s10  }
0x38: {  	s10 =	sld [smem:$0x3FB7]  }
0x39: {  	_ = 	snop;
	(pc) =	sbr.ind lr, $3  }
0x3a: {  	_ = 	snop  }
0x3b: {  	_ = 	snop  }
0x3c: {  	p2 =	seq.s32 s10, $0x1;
	s10 =	sld [smem:$0x3FB6]  }
0x3d: {  	_ =	shalt  }
0x3e: {  	_ =	shalt  }
0x3f: {  	_ =	shalt  }
0x40: {  	_ =	shalt  }
0x41: {  	_ =	shalt  }
0x42: {  	_ =	shalt  }
0x43: {  	_ =	shalt  }
0x44: {  	_ =	shalt  }
0x45: {  	_ =	shalt  }
0x46: {  	_ =	shalt  }
0x47: {  	_ =	shalt  }
0x48: {  	_ =	shalt  }
0x49: {  	_ =	shalt  }
0x4a: {  	_ =	shalt  }
0x4b: {  	_ =	shalt  }
0x4c: {  	_ =	shalt  }
0x4d: {  	_ =	shalt  }
0x4e: {  	_ =	shalt  }
0x4f: {  	_ =	shalt  }
0x50: {  	_ =	shalt  }
0x51: {  	_ =	shalt  }
0x52: {  	_ =	shalt  }
0x53: {  	_ =	shalt  }
0x54: {  	_ =	shalt  }
0x55: {  	_ =	shalt  }
0x56: {  	_ =	shalt  }
0x57: {  	_ =	shalt  }
0x58: {  	_ =	shalt  }
0x59: {  	_ =	shalt  }
0x5a: {  	_ =	shalt  }
0x5b: {  	_ =	shalt  }
0x5c: {  	_ =	shalt  }
0x5d: {  	_ =	shalt  }
0x5e: {  	_ =	shalt  }
0x5f: {  	_ =	shalt  }
0x60: {  	_ =	shalt  }
0x61: {  	_ =	shalt  }
0x62: {  	_ =	shalt  }
0x63: {  	_ =	shalt  }
0x64: {  	_ =	shalt  }
0x65: {  	_ =	shalt  }
0x66: {  	_ =	shalt  }
0x67: {  	_ =	shalt  }
0x68: {  	_ =	shalt  }
0x69: {  	_ =	shalt  }
0x6a: {  	_ =	shalt  }
0x6b: {  	_ =	shalt  }
0x6c: {  	_ =	shalt  }
0x6d: {  	_ =	shalt  }
0x6e: {  	_ =	shalt  }
0x6f: {  	_ =	shalt  }
0x70: {  	_ =	shalt  }
0x71: {  	_ =	shalt  }
0x72: {  	_ =	shalt  }
0x73: {  	_ =	shalt  }
0x74: {  	_ =	shalt  }
0x75: {  	_ =	shalt  }
0x76: {  	_ =	shalt  }
0x77: {  	_ =	shalt  }
0x78: {  	_ =	shalt  }
0x79: {  	_ =	shalt  }
0x7a: {  	_ =	shalt  }
0x7b: {  	_ =	shalt  }
0x7c: {  	_ =	shalt  }
0x7d: {  	_ =	shalt  }
0x7e: {  	_ =	shalt  }
0x7f: {  	_ =	shalt  }
0x80: {  	_ =	shalt  }
0x81: {  	_ =	shalt  }
0x82: {  	_ =	shalt  }
0x83: {  	_ =	shalt  }
0x84: {  	_ =	shalt  }
0x85: {  	_ =	shalt  }
0x86: {  	_ =	shalt  }
0x87: {  	_ =	shalt  }
.Lfunc_end0:
.L_simem_size_0:
called_computation.2_lowered:
.L_overlay_start_0:
0x88: {  	s2 =	sld [smem:$0x3FD9]  }
0x89: {  	s3 =	sld [smem:$0x3FFE];
	_ =	sdelay $0x1  }
0x8a: {  	s1 =	srdreg.scid  }
0x8b: {  	s0 =	sand.u32 $0x1, s1  }
0x8c: {  	s16 =	sshll.u32 s0, $0xA;
	s2 =	sadd.s32 s3, s2  }
0x8d: {  	s2 =	sadd.s32 s2, s16  }
0x8e: {  	[smem:$0x3FC2] =	sst s2  }
0x8f: {  	_ = 	snop  }
0x90: {  	(tm) =	ssettm $0x1  }
0x91: {  	s17 =	sld [smem:$0x3FFB];
	_ =	sdelay $0x3  }
0x92: {  	_ =	strace s17  }
0x93: {  	s2 =	sld [smem:$0x3FFC];
	_ =	sdelay $0x3  }
0x94: {  	_ =	strace s2  }
0x95: {  	s2 =	sld [smem:$0x3FFD];
	_ =	sdelay $0x3  }
0x96: {  	_ =	strace s2  }
0x97: {  	_ =	strace $0x8FFFFFFF  }
0x98: {  	s18 =	sld [smem:$0x3FDB];
	_ =	sdelay $0x1  }
0x99: {  	s19 =	simm.s32 $_scs_section_size  }
0x9a: {  	s4 =	simm.s32 $_size__tile_overlayer_lowered;
	s5 =	simm.s32 $_tile_overlayer_lowered  }
0x9b: {  	s22 =	simm.s32 $0x1BFF;
	s21 =	sshll.u32 s5, $0x1;
	s2 =	sadd.s32 s19, s18  }
0x9c: {  	s6 =	simm.s32 $0x0;
	s20 =	sshll.u32 s4, $0x1;
	s4 =	sadd.s32 s21, s2  }
0x9d: {  	[timem:s6], [sflag:s22] =	dma.local [hbm:s4], s20  }
0x9e: {  	_ =	swait.ge [sflag:s22], s20  }
0x9f: {  	s3 =	ssub.s32 $0x0, s20;
	[sflag:s22] =	ssyncset.done $0x0  }
0xa0: {  	[sflag:s22] =	ssyncadd.s32 s3;
	_ =	sdelay $0x1  }
0xa1: {  	s23 =	simm.s32 $0x1B8B  }
0xa2: {  	_ =	swait.ge [sflag:s23], $0x1  }
0xa3: {  	[sflag:s23] =	ssyncset.done $0x0  }
0xa4: {  	s25 =	simm.s32 $0x1B8E;
	s24 =	sld [smem:$0x3FFE];
	[sflag:s23] =	ssyncadd.s32 $0xFFFFFFFF  }
0xa5: {  	s26 =	simm.s32 $execute0_lowered;
	[smem:$0x3FD2] =	sst s25  }
0xa6: {  	s4 =	sshll.u32 s26, $0x1;
	_ =	strace $0x8000004C;
	[dreg:$0x1] =	wrdreg $0xFFFFFFFF  }
0xa7: {  	s28 =	simm.s32 $_size_execute0_lowered;
	s2 =	sadd.s32 s2, s4;
	[dreg:$0x0] =	wrdreg $0x0  }
0xa8: {  	s4 =	sshll.u32 s28, $0x1;
	[dreg:$0x2] =	wrdreg s2  }
0xa9: {  	[dreg:$0x3] =	wrdreg s4  }
0xaa: {  	[dreg:$0x4] =	wrdreg $0xC0  }
0xab: {  	_ =	task [dreg:s6], $0x5FFFF  }
0xac: {  	[dreg:$0x1] =	wrdreg $0xFFFFFFFF  }
0xad: {  	[dreg:$0x0] =	wrdreg $0x60  }
0xae: {  	[dreg:$0x2] =	wrdreg s24  }
0xaf: {  	[dreg:$0x3] =	wrdreg $0x138800  }
0xb0: {  	[dreg:$0x4] =	wrdreg $0x144C00  }
0xb1: {  	[dreg:$0x5] =	wrdreg $0x9  }
0xb2: {  	_ =	task.clear_ibuf [dreg:s6], $0x6FFFF;
	_ =	strace $0x9000004C  }
0xb3: {  	s29 =	simm.s32 $0x9;
	_ =	strace $0x8000004E  }
0xb4: {  	_ =	swait.ge [sflag:s29], $0x1  }
0xb5: {  	[sflag:s29] =	ssyncadd.s32 $0xFFFFFFFF  }
0xb6: {  	_ =	strace $0x9000004E  }
0xb7: {  	_ =	sfence  }
0xb8: {  	s30 =	sld [smem:$0x0];
	_ =	sdelay $0x2  }
0xb9: {  	s31 =	sshll.u32 s1, $0xD;
	s1 =	sshrl.u32 s1, $0x2  }
0xba: {  	s3 =	sand.u32 $0x4000, s31;
	s1 =	sadd.s32 s1, s30  }
0xbb: {  	s0 =	sor.u32 s3, s0;
	s1 =	sshll.u32 s1, $0x11  }
0xbc: {  	s0 =	sor.u32 s1, s0  }
0xbd: {  	s0 =	sadd.s32 $0x8F2B, s0  }
0xbe: {  	[sflag:s0] =	ssyncadd.remote.s32 $0x1  }
0xbf: {  	_ =	sfence.sel $0xFFFF  }
0xc0: {  	[dreg:$0x0] =	wrdreg $0xFFFFFFFF;
	(pc) =	sbr.abs _section_cstart, $3  }
0xc1: {  	[dreg:$0x1] =	wrdreg $0xFFFFFFFF  }
0xc2: {  	_ =	task.clear_ibuf [dreg:s6], $0x2FFFF;
	_ =	strace $0x9FFFFFFF  }
0xc3: {  	(tm) =	ssettm $0x7FFFFFFF  }
tec
execute0_lowered:
.L_overlay_start_1:
0x0: {  	(tag) =	ssettag $0x1  }
0x1: {  	s0 =	rddreg [dreg:$0x0]  }
0x2: {  	s2 =	rddreg [dreg:$0x1]  }
0x3: {  	s3 =	rddreg [dreg:$0x2]  }
0x4: {  	s10 =	stileid.u32;
	s1 =	srdreg.scid  }
0x5: {  	s4 =	simm.s32 $0x0;
	s28 =	simm.s32 $0xA000;
	s29 =	simm.s32 $0xB400  }
0x6: {  	s30 =	simm.s32 $0x12C00;
	s31 =	simm.s32 $0x4;
	s5 =	smul.u32 $0xC40, s10  }
0x7: {  	s1 =	sand.u32 $0x1, s1;
	[smem:$0x7FF] =	sst s4;
	s7 =	sadd.s32 $0x19E00, s0  }
0x8: {  	s9 =	sadd.s32 $0x1600, s0;
	s6 =	smul.u32 $0xC400, s1;
	s8 =	sshll.u32 s1, $0x4  }
0x9: {  	_ =	strace $0x8000004D;
	s1 =	ssub.s32 $0x2, s1;
	s8 =	sor.u32 s10, s8  }
0xa: {  	s17 =	sshrl.u32 s5, $0x3;
	s18 =	sshrl.u32 s1, $0x1;
	s15 =	sadd.s32 s5, s2  }
0xb: {  	s6 =	sadd.s32 s5, s6;
	s8 =	smul.u32 $0x61A8, s8;
	s10 =	sadd.s32 s17, s0  }
0xc: {  	s1 =	ssub.s32 s1, s18;
	s17 =	sadd.s32 s5, s3;
	s5 =	simm.s32 $0xC800  }
0xd: {  	s6 =	sshrl.u32 s6, $0x3;
	s16 =	sadd.s32 $0x32600, s10;
	s10 =	simm.s32 $0x2  }
0xe: {  	s0 =	sadd.s32 s6, s0;
	s11 =	sshrl.u32 s8, $0x3;
	s12 =	sadd.s32 $0x1388, s8  }
0xf: {  	s8 =	sadd.s32 $0x3A98, s8;
	s19 =	sadd.s32 s7, s11;
	s20 =	sshrl.u32 s12, $0x3  }
0x10: {  	s21 =	sadd.s32 $0x4E2, s11;
	s8 =	sshrl.u32 s8, $0x3;
	s22 =	sadd.s32 $0x9C4, s11  }
0x11: {  	s23 =	sadd.s32 s9, s11;
	s18 =	sadd.s32 $0x34000, s0;
	[dreg:$0x4] =	wrdreg s19  }
0x12: {  	s0 =	simm.s32 $0x1;
	s12 =	sadd.s32 s7, s20;
	[dreg:$0x9] =	wrdreg s23  }
0x13: {  	s11 =	simm.s32 $0x3;
	s13 =	sadd.s32 s7, s21;
	[dreg:$0x5] =	wrdreg s12  }
0x14: {  	s14 =	sadd.s32 s7, s8;
	s7 =	sadd.s32 s7, s22;
	[dreg:$0x6] =	wrdreg s13  }
0x15: {  	s6 =	sadd.s32 s9, s20;
	s24 =	sadd.s32 s9, s21;
	[dreg:$0x7] =	wrdreg s14  }
0x16: {  	s25 =	sadd.s32 s9, s8;
	s26 =	sadd.s32 s9, s22;
	[dreg:$0x8] =	wrdreg s7  }
0x17: {  	s19 =	smax.u32 s1, $0x1;
	s20 =	simm.s32 $0x1400;
	[dreg:$0xa] =	wrdreg s6  }
0x18: {  	s21 =	simm.s32 $0x2800;
	s22 =	simm.s32 $0x3C00;
	[dreg:$0xb] =	wrdreg s24  }
0x19: {  	s23 =	simm.s32 $0x5000;
	s1 =	simm.s32 $0x1388;
	[dreg:$0xc] =	wrdreg s25  }
0x1a: {  	s8 =	simm.s32 $0x10400;
	s9 =	simm.s32 $0x11800;
	[dreg:$0xd] =	wrdreg s26  }
0x1b: {  	s24 =	simm.s32 $0x6400;
	s25 =	simm.s32 $0x7800;
	s26 =	simm.s32 $0x8C00  }
0x1c: {  	v0 =	vimm.f32 $0.0e+00;
	s6 =	simm.s32 $0xDC00;
	s7 =	simm.s32 $0xF000;
	s12 =	simm.s32 $0x0  }
.LBB2_1:
0x1d: {  	s13 =	rddreg [dreg:$0x4]  }
0x1e: {  	[tilespmem:s4], [sflag:$0x1] =	stream.linear.gather [hbm4b:s13+s4], $0x1388, $0x38;
	[tilespmem:$0x15100] =	vst v63  }
0x1f: {  	s14 =	rddreg [dreg:$0x5]  }
0x20: {  	[tilespmem:s20], [sflag:$0x1] =	stream.linear.gather [hbm4b:s14+s4], $0x1388, $0x38;
	[tilespmem:$0x15100] =	vst v63  }
0x21: {  	s14 =	rddreg [dreg:$0x6]  }
0x22: {  	[tilespmem:s21], [sflag:$0x1] =	stream.linear.gather [hbm4b:s14+s4], $0x1388, $0x38;
	[tilespmem:$0x15100] =	vst v63  }
0x23: {  	s14 =	rddreg [dreg:$0x7]  }
0x24: {  	[tilespmem:s22], [sflag:$0x1] =	stream.linear.gather [hbm4b:s14+s4], $0x1388, $0x38;
	[tilespmem:$0x15100] =	vst v63  }
0x25: {  	s14 =	rddreg [dreg:$0x8]  }
0x26: {  	[tilespmem:s23], [sflag:$0x1] =	stream.linear.gather [hbm4b:s14+s4], $0x1388, $0x38;
	[tilespmem:$0x15100] =	vst v63  }
0x27: {  	s14 =	rddreg [dreg:$0x9]  }
0x28: {  	[tilespmem:s24], [sflag:$0x1] =	stream.linear.gather [hbm4b:s14+s4], $0x1388, $0x38;
	[tilespmem:$0x15100] =	vst v63  }
0x29: {  	s14 =	rddreg [dreg:$0xa]  }
0x2a: {  	[tilespmem:s25], [sflag:$0x1] =	stream.linear.gather [hbm4b:s14+s4], $0x1388, $0x38;
	[tilespmem:$0x15100] =	vst v63  }
0x2b: {  	s14 =	rddreg [dreg:$0xb]  }
0x2c: {  	[tilespmem:s26], [sflag:$0x1] =	stream.linear.gather [hbm4b:s14+s4], $0x1388, $0x38;
	[tilespmem:$0x15100] =	vst v63  }
0x2d: {  	s14 =	rddreg [dreg:$0xc]  }
0x2e: {  	[tilespmem:s28], [sflag:$0x1] =	stream.linear.gather [hbm4b:s14+s4], $0x1388, $0x38;
	[tilespmem:$0x15100] =	vst v63  }
0x2f: {  	s14 =	rddreg [dreg:$0xd]  }
0x30: {  	[tilespmem:s29], [sflag:$0x1] =	stream.linear.gather [hbm4b:s14+s4], $0x1388, $0x38;
	[tilespmem:$0x15100] =	vst v63  }
0x31: {  	s13 =	simm.s32 $0x40;
	s14 =	simm.s32 $0x0  }
.LBB2_2:
0x32: {  	p0 =	sne.s32 s13, $0x30C0;
	[tilespmem:s14+$0x12C00] =	vst v0;
	s14 =	smov.u32 s13;
	s13 =	sadd.s32 $0x40, s13  }
.Ltmp0:
0x33: {  	(pc) =	sbr.rel @p0 .LBB2_2-.Ltmp0, $2  }
0x34: {  	_ =	sdelay $0x2  }
0x35: {  	s14 =	sshra.s32 s14, $0x2  }
0x36: {  	[tilespmem:s14+$0x12C00] =	vst v0  }
0x37: {  	[spmem:s15] =	stream.linear.scatter [tilespmem:s30], [sflag:$0x4], $0xC40, $0x38;
	[tilespmem:$0x15100] =	vst v63  }
0x38: {  	_ =	swait.ge [sflag:s31], $0xC40  }
0x39: {  	[sflag:s31] =	ssyncset.done $0x0  }
0x3a: {  	[sflag:s31] =	ssyncadd.s32 $0xFFFFF3C0  }
0x3b: {  	[tilespmem:s30], [sflag:$0x4] =	stream.linear.gather [hbm4b:s16+s4], $0xC40, $0x38;
	[tilespmem:$0x15100] =	vst v63  }
0x3c: {  	_ =	swait.ge [sflag:s31], $0xC40  }
0x3d: {  	[sflag:s31] =	ssyncset.done $0x0  }
0x3e: {  	[sflag:s31] =	ssyncadd.s32 $0xFFFFF3C0  }
0x3f: {  	[spmem:s17] =	stream.linear.scatter [tilespmem:s30], [sflag:$0x4], $0xC40, $0x38;
	[tilespmem:$0x15100] =	vst v63  }
0x40: {  	_ =	swait.ge [sflag:s31], $0xC40  }
0x41: {  	[sflag:s31] =	ssyncset.done $0x0  }
0x42: {  	[sflag:s31] =	ssyncadd.s32 $0xFFFFF3C0  }
0x43: {  	[bflag:$0x0] =	sbarrier.arrive $0xFFFF  }
0x44: {  	_ =	swait.ge [sflag:s0], $0x1388  }
0x45: {  	[sflag:s0] =	ssyncset.done $0x0  }
0x46: {  	[sflag:s0] =	ssyncadd.s32 $0xFFFFEC78  }
0x47: {  	[tilespmem:s5], [sflag:$0x2] =	stream.indirect.gather [spmem:s3], $0x1, s4, s1, $0xb8;
	[tilespmem:$0x15100] =	vst v63  }
0x48: {  	_ =	swait.ge [sflag:s0], $0x1388  }
0x49: {  	[sflag:s0] =	ssyncset.done $0x0  }
0x4a: {  	[sflag:s0] =	ssyncadd.s32 $0xFFFFEC78  }
0x4b: {  	[tilespmem:s6], [sflag:$0x2] =	stream.indirect.gather [spmem:s3], $0x1, s20, s1, $0xb8;
	[tilespmem:$0x15100] =	vst v63  }
0x4c: {  	_ =	swait.ge [sflag:s0], $0x1388  }
0x4d: {  	[sflag:s0] =	ssyncset.done $0x0  }
0x4e: {  	[sflag:s0] =	ssyncadd.s32 $0xFFFFEC78  }
0x4f: {  	[tilespmem:s7], [sflag:$0x2] =	stream.indirect.gather [spmem:s3], $0x1, s21, s1, $0xb8;
	[tilespmem:$0x15100] =	vst v63  }
0x50: {  	_ =	swait.ge [sflag:s0], $0x1388  }
0x51: {  	[sflag:s0] =	ssyncset.done $0x0  }
0x52: {  	[sflag:s0] =	ssyncadd.s32 $0xFFFFEC78  }
0x53: {  	[tilespmem:s8], [sflag:$0x2] =	stream.indirect.gather [spmem:s3], $0x1, s22, s1, $0xb8;
	[tilespmem:$0x15100] =	vst v63  }
0x54: {  	_ =	swait.ge [sflag:s0], $0x1388  }
0x55: {  	[sflag:s0] =	ssyncset.done $0x0  }
0x56: {  	[sflag:s0] =	ssyncadd.s32 $0xFFFFEC78  }
0x57: {  	[tilespmem:s9], [sflag:$0x2] =	stream.indirect.gather [spmem:s3], $0x1, s23, s1, $0xb8;
	[tilespmem:$0x15100] =	vst v63  }
0x58: {  	_ =	swait.ge [sflag:s10], $0x1388  }
0x59: {  	[sflag:s10] =	ssyncset.done $0x0  }
0x5a: {  	[sflag:s10] =	ssyncadd.s32 $0xFFFFEC78  }
0x5b: {  	_ =	swait.ge [sflag:s0], $0x1388  }
0x5c: {  	[sflag:s0] =	ssyncset.done $0x0  }
0x5d: {  	[sflag:s0] =	ssyncadd.s32 $0xFFFFEC78  }
0x5e: {  	[spmem:s2] =	stream.indirect.scatter.add.f32 [tilespmem:s5], [sflag:$0x3], $0x1, s24, s1, $0xb8;
	[tilespmem:$0x15100] =	vst v63  }
0x5f: {  	_ =	swait.ge [sflag:s10], $0x1388  }
0x60: {  	[sflag:s10] =	ssyncset.done $0x0  }
0x61: {  	[sflag:s10] =	ssyncadd.s32 $0xFFFFEC78  }
0x62: {  	_ =	swait.ge [sflag:s0], $0x1388  }
0x63: {  	[sflag:s0] =	ssyncset.done $0x0  }
0x64: {  	[sflag:s0] =	ssyncadd.s32 $0xFFFFEC78  }
0x65: {  	[spmem:s2] =	stream.indirect.scatter.add.f32 [tilespmem:s6], [sflag:$0x3], $0x1, s25, s1, $0xb8;
	[tilespmem:$0x15100] =	vst v63  }
0x66: {  	_ =	swait.ge [sflag:s10], $0x1388  }
0x67: {  	[sflag:s10] =	ssyncset.done $0x0  }
0x68: {  	[sflag:s10] =	ssyncadd.s32 $0xFFFFEC78  }
0x69: {  	_ =	swait.ge [sflag:s0], $0x1388  }
0x6a: {  	[sflag:s0] =	ssyncset.done $0x0  }
0x6b: {  	[sflag:s0] =	ssyncadd.s32 $0xFFFFEC78  }
0x6c: {  	[spmem:s2] =	stream.indirect.scatter.add.f32 [tilespmem:s7], [sflag:$0x3], $0x1, s26, s1, $0xb8;
	[tilespmem:$0x15100] =	vst v63  }
0x6d: {  	_ =	swait.ge [sflag:s10], $0x1388  }
0x6e: {  	[sflag:s10] =	ssyncset.done $0x0  }
0x6f: {  	[sflag:s10] =	ssyncadd.s32 $0xFFFFEC78  }
0x70: {  	_ =	swait.ge [sflag:s0], $0x1388  }
0x71: {  	[sflag:s0] =	ssyncset.done $0x0  }
0x72: {  	[sflag:s0] =	ssyncadd.s32 $0xFFFFEC78  }
0x73: {  	[spmem:s2] =	stream.indirect.scatter.add.f32 [tilespmem:s8], [sflag:$0x3], $0x1, s28, s1, $0xb8;
	[tilespmem:$0x15100] =	vst v63  }
0x74: {  	_ =	swait.ge [sflag:s10], $0x1388  }
0x75: {  	[sflag:s10] =	ssyncset.done $0x0  }
0x76: {  	[sflag:s10] =	ssyncadd.s32 $0xFFFFEC78  }
0x77: {  	_ =	swait.ge [sflag:s0], $0x1388  }
0x78: {  	[sflag:s0] =	ssyncset.done $0x0  }
0x79: {  	[sflag:s0] =	ssyncadd.s32 $0xFFFFEC78  }
0x7a: {  	[spmem:s2] =	stream.indirect.scatter.add.f32 [tilespmem:s9], [sflag:$0x3], $0x1, s29, s1, $0xb8;
	[tilespmem:$0x15100] =	vst v63  }
0x7b: {  	_ =	swait.ge [sflag:s11], $0x1388  }
0x7c: {  	[sflag:s11] =	ssyncset.done $0x0  }
0x7d: {  	[sflag:s11] =	ssyncadd.s32 $0xFFFFEC78  }
0x7e: {  	_ =	swait.ge [sflag:s11], $0x1388  }
0x7f: {  	[sflag:s11] =	ssyncset.done $0x0  }
0x80: {  	[sflag:s11] =	ssyncadd.s32 $0xFFFFEC78  }
0x81: {  	_ =	swait.ge [sflag:s11], $0x1388  }
0x82: {  	[sflag:s11] =	ssyncset.done $0x0  }
0x83: {  	[sflag:s11] =	ssyncadd.s32 $0xFFFFEC78  }
0x84: {  	_ =	swait.ge [sflag:s11], $0x1388  }
0x85: {  	[sflag:s11] =	ssyncset.done $0x0  }
0x86: {  	[sflag:s11] =	ssyncadd.s32 $0xFFFFEC78  }
0x87: {  	_ =	swait.ge [sflag:s11], $0x1388  }
0x88: {  	[sflag:s11] =	ssyncset.done $0x0  }
0x89: {  	[sflag:s11] =	ssyncadd.s32 $0xFFFFEC78  }
0x8a: {  	[bflag:$0x0] =	sbarrier.arrive $0xFFFF  }
0x8b: {  	[tilespmem:s30], [sflag:$0x4] =	stream.linear.gather [spmem:s15], $0xC40, $0x38;
	[tilespmem:$0x15100] =	vst v63  }
0x8c: {  	s12 =	sadd.s32 $0x1, s12;
	_ =	swait.ge [sflag:s31], $0xC40  }
0x8d: {  	p0 =	sne.s32 s12, s19;
	[sflag:s31] =	ssyncset.done $0x0  }
.Ltmp1:
0x8e: {  	[sflag:s31] =	ssyncadd.s32 $0xFFFFF3C0;
	(pc) =	sbr.rel @p0 .LBB2_1-.Ltmp1, $4  }
0x8f: {  	[hbm4b:s18+s4] =	stream.linear.scatter [tilespmem:s30], [sflag:$0x4], $0xC40, $0x38;
	[tilespmem:$0x15100] =	vst v63  }
0x90: {  	_ =	swait.ge [sflag:s31], $0xC40  }
0x91: {  	[sflag:s31] =	ssyncset.done $0x0  }
0x92: {  	[sflag:s31] =	ssyncadd.s32 $0xFFFFF3C0  }
0x93: {  	_ =	sfence.sel $0x180000  }
0x94: {  	[bflag:$0x0] =	sbarrier.arrive $0xFFFF  }
0x95: {  	_ =	strace $0x9000004D  }
0x96: {  	s0 =	stileid.u32;
	[bflag:$0x2] =	sbarrier.arrive $0xFFFF  }
0x97: {  	p0 =	sne.s32 s0, $0x0;
	s0 =	rddreg [dreg:$0x3]  }
0x98: {  	s0 =	sadd.s32 @!p0 $0x100000, s0  }
0x99: {  	[sflag:s0] =	ssyncadd.tile.s32 @!p0 $0x1;
	_ =	shalt  }
.Lfunc_end2:
_tile_overlayer_lowered:
.L_overlay_start_2:
0x9a: {  	(tag) =	ssettag $0x2  }
0x9b: {  	s0 =	rddreg [dreg:$0x0];
	s2 =	stileid.u32  }
0x9c: {  	s1 =	rddreg [dreg:$0x1];
	p0 =	sne.s32 s2, $0x0  }
0x9d: {  	s3 =	rddreg [dreg:$0x2];
	[bflag:$0x3] =	sbarrier.arrive $0xFFFF;
	s2 =	simm.s32 @!p0 $0x1C04  }
0x9e: {  	[timem:s3], [sflag:s2] =	dma.local @!p0 [hbm:s0], s1  }
0x9f: {  	s0 =	simm.s32 @!p0 $0x4  }
0xa0: {  	_ =	swait.ge @!p0 [sflag:s0], s1  }
0xa1: {  	s1 =	ssub.s32 @!p0 $0x0, s1;
	[sflag:s0] =	ssyncset.done @!p0 $0x0  }
0xa2: {  	[sflag:s0] =	ssyncadd.s32 @!p0 s1  }
0xa3: {  	[bflag:$0x3] =	sbarrier.arrive $0xFFFF  }
0xa4: {  	_ =	shalt  }

</sc_bundles>
